<compile_context>
chip_gen: v7x
topology: tpu7x:2x2x1
jax: 0.10.2.dev20260603
libtpu: 0.0.44.dev20260713+nightly
codegen_flags: <defaults>
</compile_context>

<pallas_src>
import functools

import jax
import jax.numpy as jnp
from jax import lax
from jax.experimental import pallas as pl
from jax.experimental.pallas import tpu as pltpu
from jax.experimental.pallas import tpu_sc as plsc

N_NODES = 10000
N_RELS = 16
N_BASES = 8
H = 128
N_EDGES = 320000

NC = 2
NS = 16
NW = NC * NS
LANES = 16
CHUNK = 128
EPW = -(-N_EDGES // (NW * CHUNK)) * CHUNK
E_PAD = EPW * NW
NCHUNK = EPW // CHUNK
ZB = 80
NZB = N_NODES // ZB



def _wtable(X, BN):
    def body(wc_ref, basis_ref, out_ref):
        r = pl.program_id(1)
        acc = wc_ref[r, 0] * basis_ref[0]
        for b in range(1, N_BASES):
            acc = acc + wc_ref[r, b] * basis_ref[b]
        out_ref[0] = acc

    return pl.pallas_call(
        body,
        grid=(X // BN, N_RELS),
        in_specs=[
            pl.BlockSpec(memory_space=pltpu.SMEM),
            pl.BlockSpec((N_BASES, BN, H), lambda i, r: (0, i, 0)),
        ],
        out_specs=pl.BlockSpec((1, BN, H), lambda i, r: (r, i, 0)),
        out_shape=jax.ShapeDtypeStruct((N_RELS, X, H), jnp.float32),
    )


def _transform(BN):
    def body(p_ref, w_ref, out_ref):
        hblk = jnp.maximum(p_ref[0] + p_ref[1], 0.0)
        out_ref[0] = jnp.dot(hblk, w_ref[0], preferred_element_type=jnp.float32)

    return pl.pallas_call(
        body,
        grid=(N_NODES // BN, N_RELS),
        in_specs=[
            pl.BlockSpec((NC, BN, H), lambda i, r: (0, i, 0)),
            pl.BlockSpec((1, H, H), lambda i, r: (r, 0, 0)),
        ],
        out_specs=pl.BlockSpec((1, BN, H), lambda i, r: (r, i, 0)),
        out_shape=jax.ShapeDtypeStruct((N_RELS, N_NODES, H), jnp.float32),
    )


def _softmax_combine(BN):
    def body(p_ref, out_ref):
        h = p_ref[0] + p_ref[1]
        m = jnp.max(h, axis=1, keepdims=True)
        e = jnp.exp(h - m)
        out_ref[...] = e / jnp.sum(e, axis=1, keepdims=True)

    return pl.pallas_call(
        body,
        grid=(N_NODES // BN,),
        in_specs=[pl.BlockSpec((NC, BN, H), lambda i: (0, i, 0))],
        out_specs=pl.BlockSpec((BN, H), lambda i: (i, 0)),
        out_shape=jax.ShapeDtypeStruct((N_NODES, H), jnp.float32),
    )



_SC_AGG_CACHE = []


def _make_sc_agg():
    if _SC_AGG_CACHE:
        return _SC_AGG_CACHE[0]
    mesh = plsc.VectorSubcoreMesh(core_axis_name="c", subcore_axis_name="s",
                                  num_cores=NC, num_subcores=NS)

    @functools.partial(
        pl.kernel,
        out_type=jax.ShapeDtypeStruct((NC, N_NODES, H), jnp.float32),
        mesh=mesh,
        scratch_types=[
            pltpu.VMEM((CHUNK,), jnp.int32),
            pltpu.VMEM((CHUNK,), jnp.int32),
            pltpu.VMEM((CHUNK, LANES), jnp.float32),
            pltpu.VMEM((CHUNK, H), jnp.float32),
            pltpu.VMEM_SHARED((N_NODES, H), jnp.float32),
            pltpu.SemaphoreType.DMA,
        ],
    )
    def agg(table_hbm, idx_hbm, dst_hbm, norm_hbm, out_hbm,
            idx_v, dst_v, norm_v, rows_v, acc_sh, sem):
        cid = lax.axis_index("c")
        sid = lax.axis_index("s")
        wid = cid * NS + sid

        def zrow(i, _):
            for j in range(H // LANES):
                rows_v[i, pl.ds(j * LANES, LANES)] = jnp.zeros((LANES,), jnp.float32)
            return 0
        lax.fori_loop(0, ZB, zrow, 0)

        def zblk(k, _):
            blk = sid + NS * k

            @pl.when(blk < NZB)
            def _():
                pltpu.sync_copy(rows_v.at[pl.ds(0, ZB)],
                                acc_sh.at[pl.ds(blk * ZB, ZB)])
            return 0
        lax.fori_loop(0, -(-NZB // NS), zblk, 0)
        plsc.subcore_barrier()

        ebase = wid * EPW

        def chunk_body(c, _):
            base = ebase + c * CHUNK
            pltpu.sync_copy(idx_hbm.at[pl.ds(base, CHUNK)], idx_v)
            pltpu.sync_copy(dst_hbm.at[pl.ds(base, CHUNK)], dst_v)
            pltpu.sync_copy(norm_hbm.at[pl.ds(base, CHUNK)], norm_v)
            pltpu.async_copy(table_hbm.at[idx_v], rows_v, sem).wait()

            def scale(e, _):
                nv = norm_v[e]
                for j in range(H // LANES):
                    sl = rows_v[e, pl.ds(j * LANES, LANES)]
                    rows_v[e, pl.ds(j * LANES, LANES)] = sl * nv
                return 0
            lax.fori_loop(0, CHUNK, scale, 0)

            pltpu.sync_copy(rows_v, acc_sh.at[dst_v], add=True)
            return 0
        lax.fori_loop(0, NCHUNK, chunk_body, 0)

        plsc.subcore_barrier()

        def oblk(k, _):
            blk = sid + NS * k

            @pl.when(blk < NZB)
            def _():
                pltpu.sync_copy(acc_sh.at[pl.ds(blk * ZB, ZB)],
                                out_hbm.at[cid, pl.ds(blk * ZB, ZB)])
            return 0
        lax.fori_loop(0, -(-NZB // NS), oblk, 0)

    _SC_AGG_CACHE.append(agg)
    return agg


_wtable_big = _wtable(N_NODES, 1000)
_wtable_small = _wtable(H, H)
_transform_k = _transform(1000)
_softmax_k = _softmax_combine(1000)


def kernel(edge_index, etypes, norm, basis0, w_comp0, basis1, w_comp1,
           basis2, w_comp2):
    src = edge_index[0].astype(jnp.int32)
    dst = edge_index[1].astype(jnp.int32)
    et = etypes.astype(jnp.int32)
    idx = et * jnp.int32(N_NODES) + src

    pad = E_PAD - N_EDGES
    idx_p = jnp.pad(idx, (0, pad))
    dst_p = jnp.pad(dst, (0, pad))
    nrm_p = jnp.pad(norm.reshape(-1).astype(jnp.float32), (0, pad))
    norm16 = jnp.broadcast_to(nrm_p[:, None], (E_PAD, LANES))

    _sc_agg = _make_sc_agg()
    table0 = _wtable_big(w_comp0, basis0)
    w1full = _wtable_small(w_comp1, basis1)
    w2full = _wtable_small(w_comp2, basis2)

    p0 = _sc_agg(table0.reshape(N_RELS * N_NODES, H), idx_p, dst_p, norm16)
    t1 = _transform_k(p0, w1full)
    p1 = _sc_agg(t1.reshape(N_RELS * N_NODES, H), idx_p, dst_p, norm16)
    t2 = _transform_k(p1, w2full)
    p2 = _sc_agg(t2.reshape(N_RELS * N_NODES, H), idx_p, dst_p, norm16)
    return _softmax_k(p2)

# --- scband reference (transcript-rebuilt; emitter-appended) ---
"""Pipeline reference for scband-rgcntmodel-21715354648599 (READ-ONLY COPY).

The authoritative reference and input builder live on the scoring server;
editing this copy changes nothing except your own understanding.
"""

import jax, jax.numpy as jnp
import numpy as np

NUM_NODES = 10000
NUM_RELS = 16
NUM_BASES = 8
H_DIM = 128
OUT_DIM = 128
N_EDGES = 320000


def setup_inputs(seed: int = 0) -> dict:
    key = jax.random.key(seed)
    ks = jax.random.split(key, 10)
    edge_index = jax.random.randint(ks[0], (2, N_EDGES), 0, NUM_NODES, dtype=jnp.int64) if jax.config.read('jax_enable_x64') else jax.random.randint(ks[0], (2, N_EDGES), 0, NUM_NODES)
    etypes = jax.random.randint(ks[1], (N_EDGES,), 0, NUM_RELS)
    norm = jax.random.uniform(ks[2], (N_EDGES, 1), dtype=jnp.float32)
    basis0 = jax.random.normal(ks[3], (NUM_BASES, NUM_NODES, H_DIM), dtype=jnp.float32) * 0.05
    w_comp0 = jax.random.normal(ks[4], (NUM_RELS, NUM_BASES), dtype=jnp.float32) * 0.05
    basis1 = jax.random.normal(ks[5], (NUM_BASES, H_DIM, H_DIM), dtype=jnp.float32) * 0.05
    w_comp1 = jax.random.normal(ks[6], (NUM_RELS, NUM_BASES), dtype=jnp.float32) * 0.05
    basis2 = jax.random.normal(ks[7], (NUM_BASES, H_DIM, OUT_DIM), dtype=jnp.float32) * 0.05
    w_comp2 = jax.random.normal(ks[8], (NUM_RELS, NUM_BASES), dtype=jnp.float32) * 0.05
    return {
        'edge_index': edge_index,
        'etypes': etypes,
        'norm': norm,
        'basis0': basis0,
        'w_comp0': w_comp0,
        'basis1': basis1,
        'w_comp1': w_comp1,
        'basis2': basis2,
        'w_comp2': w_comp2,
    }


def reference(edge_index, etypes, norm, basis0, w_comp0, basis1, w_comp1, basis2, w_comp2):
    src = edge_index[0]
    dst = edge_index[1]

    # --- input layer (featureless, is_input_layer=True): embedding-style gather ---
    # weight = w_comp @ basis -> (num_rels, num_nodes, h_dim), indexed by rel*num_nodes + src
    w0 = (w_comp0 @ basis0.reshape(NUM_BASES, -1)).reshape(NUM_RELS, NUM_NODES, H_DIM)
    embed = w0.reshape(NUM_RELS * NUM_NODES, H_DIM)
    idx = etypes * NUM_NODES + src
    msg = jnp.take(embed, idx, axis=0) * norm
    h = jax.ops.segment_sum(msg, dst, num_segments=NUM_NODES)
    h = jax.nn.relu(h)

    # --- hidden layer: per-relation transform then relation/src gather ---
    w1 = (w_comp1 @ basis1.reshape(NUM_BASES, -1)).reshape(NUM_RELS, H_DIM, H_DIM)
    t1 = jnp.einsum('nd,rdo->rno', h, w1)
    msg = t1[etypes, src] * norm
    h = jax.ops.segment_sum(msg, dst, num_segments=NUM_NODES)
    h = jax.nn.relu(h)

    # --- output layer: softmax activation (as in DGL RGCN entity-classification example) ---
    w2 = (w_comp2 @ basis2.reshape(NUM_BASES, -1)).reshape(NUM_RELS, H_DIM, OUT_DIM)
    t2 = jnp.einsum('nd,rdo->rno', h, w2)
    msg = t2[etypes, src] * norm
    h = jax.ops.segment_sum(msg, dst, num_segments=NUM_NODES)
    h = jax.nn.softmax(h, axis=1)
    return h

if __name__ == "__main__":
    import jax
    _d = setup_inputs()
    print(jax.jit(kernel)(*tuple(_d.values())))

</pallas_src>

<mosaic_0001>
#map = affine_map<(d0, d1) -> (0, 0)>
#map1 = affine_map<(d0, d1) -> (0)>
#map2 = affine_map<(d0, d1) -> (0, 0, 0)>
module attributes {stable_mosaic.version = 14 : i64} {
  func.func @agg(%arg0: i32, %arg1: i32, %arg2: memref<160000x128xf32, #tpu.memory_space<hbm>>, %arg3: memref<323584xi32, #tpu.memory_space<hbm>>, %arg4: memref<323584xi32, #tpu.memory_space<hbm>>, %arg5: memref<323584x16xf32, #tpu.memory_space<hbm>>, %arg6: memref<2x10000x128xf32, #tpu.memory_space<hbm>>, %arg7: memref<128xi32, #tpu.memory_space<vmem>>, %arg8: memref<128xi32, #tpu.memory_space<vmem>>, %arg9: memref<128x16xf32, #tpu.memory_space<vmem>>, %arg10: memref<128x128xf32, #tpu.memory_space<vmem>>, %arg11: memref<10000x128xf32, #tpu.memory_space<vmem_shared>>, %arg12: memref<!tpu.dma_semaphore, #tpu.memory_space<semaphore_mem>>) attributes {dimension_semantics = [#tpu.dimension_semantics<core_parallel>, #tpu.dimension_semantics<subcore_parallel>], iteration_bounds = array<i64: 2, 16>, scalar_prefetch = 0 : i64, scratch_operands = 6 : i64, tpu.core_type = #tpu.core_type<sc_vector_subcore>, window_params = [{transform_indices = #map}, {transform_indices = #map1}, {transform_indices = #map1}, {transform_indices = #map}, {transform_indices = #map2}]} {
    %mul3A = arith.constant 16 : i32
    %mul3A_0 = arith.muli %arg0, %mul3A : i32
    %add3A = arith.addi %mul3A_0, %arg1 : i32
    %scan3A = arith.constant 0 : i32
    %scan3A_1 = arith.constant 0 : i32
    %scan3A_2 = arith.constant 80 : i32
    %scan3A_3 = arith.addi %scan3A_1, %scan3A_2 : i32
    %scan3A_4 = arith.constant 1 : i32
    %scan3A_5 = scf.for %scan3A_31 = %scan3A_1 to %scan3A_3 step %scan3A_4 iter_args(%scan3A_32 = %scan3A) -> (i32)  : i32 {
      %broadcast_in_dim3A = arith.constant 0.000000e+00 : f32
      %broadcast_in_dim3A_33 = vector.broadcast %broadcast_in_dim3A : f32 to vector<16xf32>
      %swap3A = arith.index_cast %scan3A_31 : i32 to index
      %swap3A_34 = arith.constant 0 : index
      %swap3A_35 = tpu.vector_load %arg10[%swap3A, %swap3A_34] {strides = array<i32>} : memref<128x128xf32, #tpu.memory_space<vmem>>, vector<1x16xf32>,
      %swap3A_36 = vector.shape_cast %swap3A_35 : vector<1x16xf32> to vector<16xf32>
      %swap3A_37 = vector.shape_cast %broadcast_in_dim3A_33 : vector<16xf32> to vector<1x16xf32>
      tpu.vector_store %arg10[%swap3A, %swap3A_34], %swap3A_37 {strides = array<i32>} : memref<128x128xf32, #tpu.memory_space<vmem>>, vector<1x16xf32>,
      %broadcast_in_dim3A_38 = arith.constant 0.000000e+00 : f32
      %broadcast_in_dim3A_39 = vector.broadcast %broadcast_in_dim3A_38 : f32 to vector<16xf32>
      %swap3A_40 = arith.index_cast %scan3A_31 : i32 to index
      %swap3A_41 = arith.constant 16 : index
      %swap3A_42 = tpu.vector_load %arg10[%swap3A_40, %swap3A_41] {strides = array<i32>} : memref<128x128xf32, #tpu.memory_space<vmem>>, vector<1x16xf32>,
      %swap3A_43 = vector.shape_cast %swap3A_42 : vector<1x16xf32> to vector<16xf32>
      %swap3A_44 = vector.shape_cast %broadcast_in_dim3A_39 : vector<16xf32> to vector<1x16xf32>
      tpu.vector_store %arg10[%swap3A_40, %swap3A_41], %swap3A_44 {strides = array<i32>} : memref<128x128xf32, #tpu.memory_space<vmem>>, vector<1x16xf32>,
      %broadcast_in_dim3A_45 = arith.constant 0.000000e+00 : f32
      %broadcast_in_dim3A_46 = vector.broadcast %broadcast_in_dim3A_45 : f32 to vector<16xf32>
      %swap3A_47 = arith.index_cast %scan3A_31 : i32 to index
      %swap3A_48 = arith.constant 32 : index
      %swap3A_49 = tpu.vector_load %arg10[%swap3A_47, %swap3A_48] {strides = array<i32>} : memref<128x128xf32, #tpu.memory_space<vmem>>, vector<1x16xf32>,
      %swap3A_50 = vector.shape_cast %swap3A_49 : vector<1x16xf32> to vector<16xf32>
      %swap3A_51 = vector.shape_cast %broadcast_in_dim3A_46 : vector<16xf32> to vector<1x16xf32>
      tpu.vector_store %arg10[%swap3A_47, %swap3A_48], %swap3A_51 {strides = array<i32>} : memref<128x128xf32, #tpu.memory_space<vmem>>, vector<1x16xf32>,
      %broadcast_in_dim3A_52 = arith.constant 0.000000e+00 : f32
      %broadcast_in_dim3A_53 = vector.broadcast %broadcast_in_dim3A_52 : f32 to vector<16xf32>
      %swap3A_54 = arith.index_cast %scan3A_31 : i32 to index
      %swap3A_55 = arith.constant 48 : index
      %swap3A_56 = tpu.vector_load %arg10[%swap3A_54, %swap3A_55] {strides = array<i32>} : memref<128x128xf32, #tpu.memory_space<vmem>>, vector<1x16xf32>,
      %swap3A_57 = vector.shape_cast %swap3A_56 : vector<1x16xf32> to vector<16xf32>
      %swap3A_58 = vector.shape_cast %broadcast_in_dim3A_53 : vector<16xf32> to vector<1x16xf32>
      tpu.vector_store %arg10[%swap3A_54, %swap3A_55], %swap3A_58 {strides = array<i32>} : memref<128x128xf32, #tpu.memory_space<vmem>>, vector<1x16xf32>,
      %broadcast_in_dim3A_59 = arith.constant 0.000000e+00 : f32
      %broadcast_in_dim3A_60 = vector.broadcast %broadcast_in_dim3A_59 : f32 to vector<16xf32>
      %swap3A_61 = arith.index_cast %scan3A_31 : i32 to index
      %swap3A_62 = arith.constant 64 : index
      %swap3A_63 = tpu.vector_load %arg10[%swap3A_61, %swap3A_62] {strides = array<i32>} : memref<128x128xf32, #tpu.memory_space<vmem>>, vector<1x16xf32>,
      %swap3A_64 = vector.shape_cast %swap3A_63 : vector<1x16xf32> to vector<16xf32>
      %swap3A_65 = vector.shape_cast %broadcast_in_dim3A_60 : vector<16xf32> to vector<1x16xf32>
      tpu.vector_store %arg10[%swap3A_61, %swap3A_62], %swap3A_65 {strides = array<i32>} : memref<128x128xf32, #tpu.memory_space<vmem>>, vector<1x16xf32>,
      %broadcast_in_dim3A_66 = arith.constant 0.000000e+00 : f32
      %broadcast_in_dim3A_67 = vector.broadcast %broadcast_in_dim3A_66 : f32 to vector<16xf32>
      %swap3A_68 = arith.index_cast %scan3A_31 : i32 to index
      %swap3A_69 = arith.constant 80 : index
      %swap3A_70 = tpu.vector_load %arg10[%swap3A_68, %swap3A_69] {strides = array<i32>} : memref<128x128xf32, #tpu.memory_space<vmem>>, vector<1x16xf32>,
      %swap3A_71 = vector.shape_cast %swap3A_70 : vector<1x16xf32> to vector<16xf32>
      %swap3A_72 = vector.shape_cast %broadcast_in_dim3A_67 : vector<16xf32> to vector<1x16xf32>
      tpu.vector_store %arg10[%swap3A_68, %swap3A_69], %swap3A_72 {strides = array<i32>} : memref<128x128xf32, #tpu.memory_space<vmem>>, vector<1x16xf32>,
      %broadcast_in_dim3A_73 = arith.constant 0.000000e+00 : f32
      %broadcast_in_dim3A_74 = vector.broadcast %broadcast_in_dim3A_73 : f32 to vector<16xf32>
      %swap3A_75 = arith.index_cast %scan3A_31 : i32 to index
      %swap3A_76 = arith.constant 96 : index
      %swap3A_77 = tpu.vector_load %arg10[%swap3A_75, %swap3A_76] {strides = array<i32>} : memref<128x128xf32, #tpu.memory_space<vmem>>, vector<1x16xf32>,
      %swap3A_78 = vector.shape_cast %swap3A_77 : vector<1x16xf32> to vector<16xf32>
      %swap3A_79 = vector.shape_cast %broadcast_in_dim3A_74 : vector<16xf32> to vector<1x16xf32>
      tpu.vector_store %arg10[%swap3A_75, %swap3A_76], %swap3A_79 {strides = array<i32>} : memref<128x128xf32, #tpu.memory_space<vmem>>, vector<1x16xf32>,
      %broadcast_in_dim3A_80 = arith.constant 0.000000e+00 : f32
      %broadcast_in_dim3A_81 = vector.broadcast %broadcast_in_dim3A_80 : f32 to vector<16xf32>
      %swap3A_82 = arith.index_cast %scan3A_31 : i32 to index
      %swap3A_83 = arith.constant 112 : index
      %swap3A_84 = tpu.vector_load %arg10[%swap3A_82, %swap3A_83] {strides = array<i32>} : memref<128x128xf32, #tpu.memory_space<vmem>>, vector<1x16xf32>,
      %swap3A_85 = vector.shape_cast %swap3A_84 : vector<1x16xf32> to vector<16xf32>
      %swap3A_86 = vector.shape_cast %broadcast_in_dim3A_81 : vector<16xf32> to vector<1x16xf32>
      tpu.vector_store %arg10[%swap3A_82, %swap3A_83], %swap3A_86 {strides = array<i32>} : memref<128x128xf32, #tpu.memory_space<vmem>>, vector<1x16xf32>,
      %scan3A_87 = arith.constant 0 : i32
      scf.yield %scan3A_87 : i32
    }
    %scan3A_6 = arith.constant 80 : i32
    %scan3A_7 = arith.constant 0 : i32
    %scan3A_8 = arith.constant 0 : i32
    %scan3A_9 = arith.constant 8 : i32
    %scan3A_10 = arith.addi %scan3A_8, %scan3A_9 : i32
    %scan3A_11 = arith.constant 1 : i32
    %scan3A_12 = scf.for %scan3A_31 = %scan3A_8 to %scan3A_10 step %scan3A_11 iter_args(%scan3A_32 = %scan3A_7) -> (i32)  : i32 {
      %mul3A_33 = arith.constant 16 : i32
      %mul3A_34 = arith.muli %mul3A_33, %scan3A_31 : i32
      %add3A_35 = arith.addi %arg1, %mul3A_34 : i32
      %lt3A = arith.constant 125 : i32
      %lt3A_36 = arith.cmpi slt, %add3A_35, %lt3A : i32
      %convert_element_type3A = arith.extui %lt3A_36 : i1 to i32
      %cond3A = arith.constant 0 : i32
      %cond3A_37 = arith.cmpi ne, %convert_element_type3A, %cond3A : i32
      scf.if %cond3A_37 {
        %mul3A_39 = arith.constant 80 : i32
        %mul3A_40 = arith.muli %add3A_35, %mul3A_39 : i32
        "tpu.region"() ({
          %run_scoped3A = tpu.sem_alloc : memref<!tpu.dma_semaphore, #tpu.memory_space<semaphore_mem>>
          %dma_start3A = arith.constant 0 : i32
          %dma_start3A_41 = arith.constant 0 : i32
          %dma_start3A_42 = tpu.memref_slice %arg10[%dma_start3A, %dma_start3A_41] : memref<128x128xf32, #tpu.memory_space<vmem>> -> memref<80x128xf32, #tpu.memory_space<vmem>>
          %dma_start3A_43 = arith.constant 0 : i32
          %dma_start3A_44 = tpu.memref_slice %arg11[%mul3A_40, %dma_start3A_43] : memref<10000x128xf32, #tpu.memory_space<vmem_shared>> -> memref<80x128xf32, #tpu.memory_space<vmem_shared>>
          %dma_start3A_45 = arith.constant 0 : i32
          %dma_start3A_46 = tpu.memref_slice %arg11[%mul3A_40, %dma_start3A_45] : memref<10000x128xf32, #tpu.memory_space<vmem_shared>> -> memref<80x128xf32, #tpu.memory_space<vmem_shared>>
          %dma_start3A_47 = arith.constant 0 : i32
          %dma_start3A_48 = arith.constant 0 : i32
          %dma_start3A_49 = tpu.memref_slice %arg10[%dma_start3A_47, %dma_start3A_48] : memref<128x128xf32, #tpu.memory_space<vmem>> -> memref<80x128xf32, #tpu.memory_space<vmem>>
          tpu.enqueue_dma source(%dma_start3A_49 : memref<80x128xf32, #tpu.memory_space<vmem>>) target(%dma_start3A_46 : memref<80x128xf32, #tpu.memory_space<vmem_shared>>) target_semaphore(%run_scoped3A : memref<!tpu.dma_semaphore, #tpu.memory_space<semaphore_mem>>)
          %dma_wait3A = arith.constant 0 : i32
          %dma_wait3A_50 = arith.constant 0 : i32
          %dma_wait3A_51 = tpu.memref_slice %arg10[%dma_wait3A, %dma_wait3A_50] : memref<128x128xf32, #tpu.memory_space<vmem>> -> memref<80x128xf32, #tpu.memory_space<vmem>>
          %dma_wait3A_52 = arith.constant 0 : i32
          %dma_wait3A_53 = tpu.memref_slice %arg11[%mul3A_40, %dma_wait3A_52] : memref<10000x128xf32, #tpu.memory_space<vmem_shared>> -> memref<80x128xf32, #tpu.memory_space<vmem_shared>>
          %dma_wait3A_54 = arith.constant 0 : i32
          %dma_wait3A_55 = tpu.memref_slice %arg11[%mul3A_40, %dma_wait3A_54] : memref<10000x128xf32, #tpu.memory_space<vmem_shared>> -> memref<80x128xf32, #tpu.memory_space<vmem_shared>>
          %dma_wait3A_56 = arith.constant 0 : i32
          %dma_wait3A_57 = arith.constant 0 : i32
          %dma_wait3A_58 = tpu.memref_slice %arg10[%dma_wait3A_56, %dma_wait3A_57] : memref<128x128xf32, #tpu.memory_space<vmem>> -> memref<80x128xf32, #tpu.memory_space<vmem>>
          tpu.wait_dma2 semaphore(%run_scoped3A : memref<!tpu.dma_semaphore, #tpu.memory_space<semaphore_mem>>) src(%dma_wait3A_58 : memref<80x128xf32, #tpu.memory_space<vmem>>) dst(%dma_wait3A_55 : memref<80x128xf32, #tpu.memory_space<vmem_shared>>)
          tpu.yield
        }) : () -> ()
      } else {
      }
      %scan3A_38 = arith.constant 0 : i32
      scf.yield %scan3A_38 : i32
    }
    %scan3A_13 = arith.constant 8 : i32
    %barrier3A = arith.constant 0 : index
    tpu.barrier barrier_id(%barrier3A)
    %mul3A_14 = arith.constant 10112 : i32
    %mul3A_15 = arith.muli %add3A, %mul3A_14 : i32
    %scan3A_16 = arith.constant 0 : i32
    %scan3A_17 = arith.constant 0 : i32
    %scan3A_18 = arith.constant 79 : i32
    %scan3A_19 = arith.addi %scan3A_17, %scan3A_18 : i32
    %scan3A_20 = arith.constant 1 : i32
    %scan3A_21 = scf.for %scan3A_31 = %scan3A_17 to %scan3A_19 step %scan3A_20 iter_args(%scan3A_32 = %scan3A_16) -> (i32)  : i32 {
      %mul3A_33 = arith.constant 128 : i32
      %mul3A_34 = arith.muli %scan3A_31, %mul3A_33 : i32
      %add3A_35 = arith.addi %mul3A_15, %mul3A_34 : i32
      "tpu.region"() ({
        %run_scoped3A = tpu.sem_alloc : memref<!tpu.dma_semaphore, #tpu.memory_space<semaphore_mem>>
        %dma_start3A_48 = tpu.memref_slice %arg3[%add3A_35] : memref<323584xi32, #tpu.memory_space<hbm>> -> memref<128xi32, #tpu.memory_space<hbm>>
        %dma_start3A_49 = tpu.memref_slice %arg3[%add3A_35] : memref<323584xi32, #tpu.memory_space<hbm>> -> memref<128xi32, #tpu.memory_space<hbm>>
        tpu.enqueue_dma source(%dma_start3A_49 : memref<128xi32, #tpu.memory_space<hbm>>) target(%arg7 : memref<128xi32, #tpu.memory_space<vmem>>) target_semaphore(%run_scoped3A : memref<!tpu.dma_semaphore, #tpu.memory_space<semaphore_mem>>)
        %dma_wait3A_50 = tpu.memref_slice %arg3[%add3A_35] : memref<323584xi32, #tpu.memory_space<hbm>> -> memref<128xi32, #tpu.memory_space<hbm>>
        %dma_wait3A_51 = tpu.memref_slice %arg3[%add3A_35] : memref<323584xi32, #tpu.memory_space<hbm>> -> memref<128xi32, #tpu.memory_space<hbm>>
        tpu.wait_dma2 semaphore(%run_scoped3A : memref<!tpu.dma_semaphore, #tpu.memory_space<semaphore_mem>>) src(%dma_wait3A_51 : memref<128xi32, #tpu.memory_space<hbm>>) dst(%arg7 : memref<128xi32, #tpu.memory_space<vmem>>)
        tpu.yield
      }) : () -> ()
      "tpu.region"() ({
        %run_scoped3A = tpu.sem_alloc : memref<!tpu.dma_semaphore, #tpu.memory_space<semaphore_mem>>
        %dma_start3A_48 = tpu.memref_slice %arg4[%add3A_35] : memref<323584xi32, #tpu.memory_space<hbm>> -> memref<128xi32, #tpu.memory_space<hbm>>
        %dma_start3A_49 = tpu.memref_slice %arg4[%add3A_35] : memref<323584xi32, #tpu.memory_space<hbm>> -> memref<128xi32, #tpu.memory_space<hbm>>
        tpu.enqueue_dma source(%dma_start3A_49 : memref<128xi32, #tpu.memory_space<hbm>>) target(%arg8 : memref<128xi32, #tpu.memory_space<vmem>>) target_semaphore(%run_scoped3A : memref<!tpu.dma_semaphore, #tpu.memory_space<semaphore_mem>>)
        %dma_wait3A_50 = tpu.memref_slice %arg4[%add3A_35] : memref<323584xi32, #tpu.memory_space<hbm>> -> memref<128xi32, #tpu.memory_space<hbm>>
        %dma_wait3A_51 = tpu.memref_slice %arg4[%add3A_35] : memref<323584xi32, #tpu.memory_space<hbm>> -> memref<128xi32, #tpu.memory_space<hbm>>
        tpu.wait_dma2 semaphore(%run_scoped3A : memref<!tpu.dma_semaphore, #tpu.memory_space<semaphore_mem>>) src(%dma_wait3A_51 : memref<128xi32, #tpu.memory_space<hbm>>) dst(%arg8 : memref<128xi32, #tpu.memory_space<vmem>>)
        tpu.yield
      }) : () -> ()
      "tpu.region"() ({
        %run_scoped3A = tpu.sem_alloc : memref<!tpu.dma_semaphore, #tpu.memory_space<semaphore_mem>>
        %dma_start3A_48 = arith.constant 0 : i32
        %dma_start3A_49 = tpu.memref_slice %arg5[%add3A_35, %dma_start3A_48] : memref<323584x16xf32, #tpu.memory_space<hbm>> -> memref<128x16xf32, #tpu.memory_space<hbm>>
        %dma_start3A_50 = arith.constant 0 : i32
        %dma_start3A_51 = tpu.memref_slice %arg5[%add3A_35, %dma_start3A_50] : memref<323584x16xf32, #tpu.memory_space<hbm>> -> memref<128x16xf32, #tpu.memory_space<hbm>>
        tpu.enqueue_dma source(%dma_start3A_51 : memref<128x16xf32, #tpu.memory_space<hbm>>) target(%arg9 : memref<128x16xf32, #tpu.memory_space<vmem>>) target_semaphore(%run_scoped3A : memref<!tpu.dma_semaphore, #tpu.memory_space<semaphore_mem>>)
        %dma_wait3A_52 = arith.constant 0 : i32
        %dma_wait3A_53 = tpu.memref_slice %arg5[%add3A_35, %dma_wait3A_52] : memref<323584x16xf32, #tpu.memory_space<hbm>> -> memref<128x16xf32, #tpu.memory_space<hbm>>
        %dma_wait3A_54 = arith.constant 0 : i32
        %dma_wait3A_55 = tpu.memref_slice %arg5[%add3A_35, %dma_wait3A_54] : memref<323584x16xf32, #tpu.memory_space<hbm>> -> memref<128x16xf32, #tpu.memory_space<hbm>>
        tpu.wait_dma2 semaphore(%run_scoped3A : memref<!tpu.dma_semaphore, #tpu.memory_space<semaphore_mem>>) src(%dma_wait3A_55 : memref<128x16xf32, #tpu.memory_space<hbm>>) dst(%arg9 : memref<128x16xf32, #tpu.memory_space<vmem>>)
        tpu.yield
      }) : () -> ()
      %dma_start3A = arith.constant 0 : i32
      %dma_start3A_36 = arith.constant 0 : i32
      %dma_start3A_37 = tpu.memref_slice %arg2[%dma_start3A, %dma_start3A_36] : memref<160000x128xf32, #tpu.memory_space<hbm>> -> memref<160000x128xf32, #tpu.memory_space<hbm>>
      tpu.enqueue_indirect_dma source(%dma_start3A_37 : memref<160000x128xf32, #tpu.memory_space<hbm>>) target(%arg10 : memref<128x128xf32, #tpu.memory_space<vmem>>) offsets(%arg7 : memref<128xi32, #tpu.memory_space<vmem>>) semaphore(%arg12 : memref<!tpu.dma_semaphore, #tpu.memory_space<semaphore_mem>>)
      %dma_wait3A = arith.constant 0 : i32
      %dma_wait3A_38 = arith.constant 0 : i32
      %dma_wait3A_39 = tpu.memref_slice %arg2[%dma_wait3A, %dma_wait3A_38] : memref<160000x128xf32, #tpu.memory_space<hbm>> -> memref<160000x128xf32, #tpu.memory_space<hbm>>
      tpu.wait_indirect_dma semaphore(%arg12 : memref<!tpu.dma_semaphore, #tpu.memory_space<semaphore_mem>>) src(%dma_wait3A_39 : memref<160000x128xf32, #tpu.memory_space<hbm>>) dst(%arg10 : memref<128x128xf32, #tpu.memory_space<vmem>>)
      %scan3A_40 = arith.constant 0 : i32
      %scan3A_41 = arith.constant 0 : i32
      %scan3A_42 = arith.constant 128 : i32
      %scan3A_43 = arith.addi %scan3A_41, %scan3A_42 : i32
      %scan3A_44 = arith.constant 1 : i32
      %scan3A_45 = scf.for %scan3A_48 = %scan3A_41 to %scan3A_43 step %scan3A_44 iter_args(%scan3A_49 = %scan3A_40) -> (i32)  : i32 {
        %get3A = arith.index_cast %scan3A_48 : i32 to index
        %get3A_50 = arith.constant 0 : index
        %get3A_51 = tpu.vector_load %arg9[%get3A, %get3A_50] {strides = array<i32>} : memref<128x16xf32, #tpu.memory_space<vmem>>, vector<1x16xf32>,
        %get3A_52 = vector.shape_cast %get3A_51 : vector<1x16xf32> to vector<16xf32>
        %get3A_53 = arith.index_cast %scan3A_48 : i32 to index
        %get3A_54 = arith.constant 0 : index
        %get3A_55 = tpu.vector_load %arg10[%get3A_53, %get3A_54] {strides = array<i32>} : memref<128x128xf32, #tpu.memory_space<vmem>>, vector<1x16xf32>,
        %get3A_56 = vector.shape_cast %get3A_55 : vector<1x16xf32> to vector<16xf32>
        %mul3A_57 = arith.mulf %get3A_56, %get3A_52 : vector<16xf32>
        %swap3A = arith.index_cast %scan3A_48 : i32 to index
        %swap3A_58 = arith.constant 0 : index
        %swap3A_59 = tpu.vector_load %arg10[%swap3A, %swap3A_58] {strides = array<i32>} : memref<128x128xf32, #tpu.memory_space<vmem>>, vector<1x16xf32>,
        %swap3A_60 = vector.shape_cast %swap3A_59 : vector<1x16xf32> to vector<16xf32>
        %swap3A_61 = vector.shape_cast %mul3A_57 : vector<16xf32> to vector<1x16xf32>
        tpu.vector_store %arg10[%swap3A, %swap3A_58], %swap3A_61 {strides = array<i32>} : memref<128x128xf32, #tpu.memory_space<vmem>>, vector<1x16xf32>,
        %get3A_62 = arith.index_cast %scan3A_48 : i32 to index
        %get3A_63 = arith.constant 16 : index
        %get3A_64 = tpu.vector_load %arg10[%get3A_62, %get3A_63] {strides = array<i32>} : memref<128x128xf32, #tpu.memory_space<vmem>>, vector<1x16xf32>,
        %get3A_65 = vector.shape_cast %get3A_64 : vector<1x16xf32> to vector<16xf32>
        %mul3A_66 = arith.mulf %get3A_65, %get3A_52 : vector<16xf32>
        %swap3A_67 = arith.index_cast %scan3A_48 : i32 to index
        %swap3A_68 = arith.constant 16 : index
        %swap3A_69 = tpu.vector_load %arg10[%swap3A_67, %swap3A_68] {strides = array<i32>} : memref<128x128xf32, #tpu.memory_space<vmem>>, vector<1x16xf32>,
        %swap3A_70 = vector.shape_cast %swap3A_69 : vector<1x16xf32> to vector<16xf32>
        %swap3A_71 = vector.shape_cast %mul3A_66 : vector<16xf32> to vector<1x16xf32>
        tpu.vector_store %arg10[%swap3A_67, %swap3A_68], %swap3A_71 {strides = array<i32>} : memref<128x128xf32, #tpu.memory_space<vmem>>, vector<1x16xf32>,
        %get3A_72 = arith.index_cast %scan3A_48 : i32 to index
        %get3A_73 = arith.constant 32 : index
        %get3A_74 = tpu.vector_load %arg10[%get3A_72, %get3A_73] {strides = array<i32>} : memref<128x128xf32, #tpu.memory_space<vmem>>, vector<1x16xf32>,
        %get3A_75 = vector.shape_cast %get3A_74 : vector<1x16xf32> to vector<16xf32>
        %mul3A_76 = arith.mulf %get3A_75, %get3A_52 : vector<16xf32>
        %swap3A_77 = arith.index_cast %scan3A_48 : i32 to index
        %swap3A_78 = arith.constant 32 : index
        %swap3A_79 = tpu.vector_load %arg10[%swap3A_77, %swap3A_78] {strides = array<i32>} : memref<128x128xf32, #tpu.memory_space<vmem>>, vector<1x16xf32>,
        %swap3A_80 = vector.shape_cast %swap3A_79 : vector<1x16xf32> to vector<16xf32>
        %swap3A_81 = vector.shape_cast %mul3A_76 : vector<16xf32> to vector<1x16xf32>
        tpu.vector_store %arg10[%swap3A_77, %swap3A_78], %swap3A_81 {strides = array<i32>} : memref<128x128xf32, #tpu.memory_space<vmem>>, vector<1x16xf32>,
        %get3A_82 = arith.index_cast %scan3A_48 : i32 to index
        %get3A_83 = arith.constant 48 : index
        %get3A_84 = tpu.vector_load %arg10[%get3A_82, %get3A_83] {strides = array<i32>} : memref<128x128xf32, #tpu.memory_space<vmem>>, vector<1x16xf32>,
        %get3A_85 = vector.shape_cast %get3A_84 : vector<1x16xf32> to vector<16xf32>
        %mul3A_86 = arith.mulf %get3A_85, %get3A_52 : vector<16xf32>
        %swap3A_87 = arith.index_cast %scan3A_48 : i32 to index
        %swap3A_88 = arith.constant 48 : index
        %swap3A_89 = tpu.vector_load %arg10[%swap3A_87, %swap3A_88] {strides = array<i32>} : memref<128x128xf32, #tpu.memory_space<vmem>>, vector<1x16xf32>,
        %swap3A_90 = vector.shape_cast %swap3A_89 : vector<1x16xf32> to vector<16xf32>
        %swap3A_91 = vector.shape_cast %mul3A_86 : vector<16xf32> to vector<1x16xf32>
        tpu.vector_store %arg10[%swap3A_87, %swap3A_88], %swap3A_91 {strides = array<i32>} : memref<128x128xf32, #tpu.memory_space<vmem>>, vector<1x16xf32>,
        %get3A_92 = arith.index_cast %scan3A_48 : i32 to index
        %get3A_93 = arith.constant 64 : index
        %get3A_94 = tpu.vector_load %arg10[%get3A_92, %get3A_93] {strides = array<i32>} : memref<128x128xf32, #tpu.memory_space<vmem>>, vector<1x16xf32>,
        %get3A_95 = vector.shape_cast %get3A_94 : vector<1x16xf32> to vector<16xf32>
        %mul3A_96 = arith.mulf %get3A_95, %get3A_52 : vector<16xf32>
        %swap3A_97 = arith.index_cast %scan3A_48 : i32 to index
        %swap3A_98 = arith.constant 64 : index
        %swap3A_99 = tpu.vector_load %arg10[%swap3A_97, %swap3A_98] {strides = array<i32>} : memref<128x128xf32, #tpu.memory_space<vmem>>, vector<1x16xf32>,
        %swap3A_100 = vector.shape_cast %swap3A_99 : vector<1x16xf32> to vector<16xf32>
        %swap3A_101 = vector.shape_cast %mul3A_96 : vector<16xf32> to vector<1x16xf32>
        tpu.vector_store %arg10[%swap3A_97, %swap3A_98], %swap3A_101 {strides = array<i32>} : memref<128x128xf32, #tpu.memory_space<vmem>>, vector<1x16xf32>,
        %get3A_102 = arith.index_cast %scan3A_48 : i32 to index
        %get3A_103 = arith.constant 80 : index
        %get3A_104 = tpu.vector_load %arg10[%get3A_102, %get3A_103] {strides = array<i32>} : memref<128x128xf32, #tpu.memory_space<vmem>>, vector<1x16xf32>,
        %get3A_105 = vector.shape_cast %get3A_104 : vector<1x16xf32> to vector<16xf32>
        %mul3A_106 = arith.mulf %get3A_105, %get3A_52 : vector<16xf32>
        %swap3A_107 = arith.index_cast %scan3A_48 : i32 to index
        %swap3A_108 = arith.constant 80 : index
        %swap3A_109 = tpu.vector_load %arg10[%swap3A_107, %swap3A_108] {strides = array<i32>} : memref<128x128xf32, #tpu.memory_space<vmem>>, vector<1x16xf32>,
        %swap3A_110 = vector.shape_cast %swap3A_109 : vector<1x16xf32> to vector<16xf32>
        %swap3A_111 = vector.shape_cast %mul3A_106 : vector<16xf32> to vector<1x16xf32>
        tpu.vector_store %arg10[%swap3A_107, %swap3A_108], %swap3A_111 {strides = array<i32>} : memref<128x128xf32, #tpu.memory_space<vmem>>, vector<1x16xf32>,
        %get3A_112 = arith.index_cast %scan3A_48 : i32 to index
        %get3A_113 = arith.constant 96 : index
        %get3A_114 = tpu.vector_load %arg10[%get3A_112, %get3A_113] {strides = array<i32>} : memref<128x128xf32, #tpu.memory_space<vmem>>, vector<1x16xf32>,
        %get3A_115 = vector.shape_cast %get3A_114 : vector<1x16xf32> to vector<16xf32>
        %mul3A_116 = arith.mulf %get3A_115, %get3A_52 : vector<16xf32>
        %swap3A_117 = arith.index_cast %scan3A_48 : i32 to index
        %swap3A_118 = arith.constant 96 : index
        %swap3A_119 = tpu.vector_load %arg10[%swap3A_117, %swap3A_118] {strides = array<i32>} : memref<128x128xf32, #tpu.memory_space<vmem>>, vector<1x16xf32>,
        %swap3A_120 = vector.shape_cast %swap3A_119 : vector<1x16xf32> to vector<16xf32>
        %swap3A_121 = vector.shape_cast %mul3A_116 : vector<16xf32> to vector<1x16xf32>
        tpu.vector_store %arg10[%swap3A_117, %swap3A_118], %swap3A_121 {strides = array<i32>} : memref<128x128xf32, #tpu.memory_space<vmem>>, vector<1x16xf32>,
        %get3A_122 = arith.index_cast %scan3A_48 : i32 to index
        %get3A_123 = arith.constant 112 : index
        %get3A_124 = tpu.vector_load %arg10[%get3A_122, %get3A_123] {strides = array<i32>} : memref<128x128xf32, #tpu.memory_space<vmem>>, vector<1x16xf32>,
        %get3A_125 = vector.shape_cast %get3A_124 : vector<1x16xf32> to vector<16xf32>
        %mul3A_126 = arith.mulf %get3A_125, %get3A_52 : vector<16xf32>
        %swap3A_127 = arith.index_cast %scan3A_48 : i32 to index
        %swap3A_128 = arith.constant 112 : index
        %swap3A_129 = tpu.vector_load %arg10[%swap3A_127, %swap3A_128] {strides = array<i32>} : memref<128x128xf32, #tpu.memory_space<vmem>>, vector<1x16xf32>,
        %swap3A_130 = vector.shape_cast %swap3A_129 : vector<1x16xf32> to vector<16xf32>
        %swap3A_131 = vector.shape_cast %mul3A_126 : vector<16xf32> to vector<1x16xf32>
        tpu.vector_store %arg10[%swap3A_127, %swap3A_128], %swap3A_131 {strides = array<i32>} : memref<128x128xf32, #tpu.memory_space<vmem>>, vector<1x16xf32>,
        %scan3A_132 = arith.constant 0 : i32
        scf.yield %scan3A_132 : i32
      }
      %scan3A_46 = arith.constant 128 : i32
      "tpu.region"() ({
        %run_scoped3A = tpu.sem_alloc : memref<!tpu.dma_semaphore, #tpu.memory_space<semaphore_mem>>
        %dma_start3A_48 = arith.constant 0 : i32
        %dma_start3A_49 = arith.constant 0 : i32
        %dma_start3A_50 = tpu.memref_slice %arg11[%dma_start3A_48, %dma_start3A_49] : memref<10000x128xf32, #tpu.memory_space<vmem_shared>> -> memref<10000x128xf32, #tpu.memory_space<vmem_shared>>
        tpu.enqueue_indirect_dma source(%arg10 : memref<128x128xf32, #tpu.memory_space<vmem>>) target(%dma_start3A_50 : memref<10000x128xf32, #tpu.memory_space<vmem_shared>>) offsets(%arg8 : memref<128xi32, #tpu.memory_space<vmem>>) semaphore(%run_scoped3A : memref<!tpu.dma_semaphore, #tpu.memory_space<semaphore_mem>>) {add = true}
        %dma_wait3A_51 = arith.constant 0 : i32
        %dma_wait3A_52 = arith.constant 0 : i32
        %dma_wait3A_53 = tpu.memref_slice %arg11[%dma_wait3A_51, %dma_wait3A_52] : memref<10000x128xf32, #tpu.memory_space<vmem_shared>> -> memref<10000x128xf32, #tpu.memory_space<vmem_shared>>
        tpu.wait_indirect_dma semaphore(%run_scoped3A : memref<!tpu.dma_semaphore, #tpu.memory_space<semaphore_mem>>) src(%arg10 : memref<128x128xf32, #tpu.memory_space<vmem>>) dst(%dma_wait3A_53 : memref<10000x128xf32, #tpu.memory_space<vmem_shared>>)
        tpu.yield
      }) : () -> ()
      %scan3A_47 = arith.constant 0 : i32
      scf.yield %scan3A_47 : i32
    }
    %scan3A_22 = arith.constant 79 : i32
    %barrier3A_23 = arith.constant 0 : index
    tpu.barrier barrier_id(%barrier3A_23)
    %scan3A_24 = arith.constant 0 : i32
    %scan3A_25 = arith.constant 0 : i32
    %scan3A_26 = arith.constant 8 : i32
    %scan3A_27 = arith.addi %scan3A_25, %scan3A_26 : i32
    %scan3A_28 = arith.constant 1 : i32
    %scan3A_29 = scf.for %scan3A_31 = %scan3A_25 to %scan3A_27 step %scan3A_28 iter_args(%scan3A_32 = %scan3A_24) -> (i32)  : i32 {
      %mul3A_33 = arith.constant 16 : i32
      %mul3A_34 = arith.muli %mul3A_33, %scan3A_31 : i32
      %add3A_35 = arith.addi %arg1, %mul3A_34 : i32
      %lt3A = arith.constant 125 : i32
      %lt3A_36 = arith.cmpi slt, %add3A_35, %lt3A : i32
      %convert_element_type3A = arith.extui %lt3A_36 : i1 to i32
      %cond3A = arith.constant 0 : i32
      %cond3A_37 = arith.cmpi ne, %convert_element_type3A, %cond3A : i32
      scf.if %cond3A_37 {
        %mul3A_39 = arith.constant 80 : i32
        %mul3A_40 = arith.muli %add3A_35, %mul3A_39 : i32
        %mul3A_41 = arith.constant 80 : i32
        %mul3A_42 = arith.muli %add3A_35, %mul3A_41 : i32
        "tpu.region"() ({
          %run_scoped3A = tpu.sem_alloc : memref<!tpu.dma_semaphore, #tpu.memory_space<semaphore_mem>>
          %dma_start3A = arith.constant 0 : i32
          %dma_start3A_43 = tpu.memref_slice %arg6[%arg0, %mul3A_42, %dma_start3A] : memref<2x10000x128xf32, #tpu.memory_space<hbm>> -> memref<1x80x128xf32, #tpu.memory_space<hbm>>
          %dma_start3A_44 = tpu.memref_squeeze %dma_start3A_43 : memref<1x80x128xf32, #tpu.memory_space<hbm>> -> memref<80x128xf32, #tpu.memory_space<hbm>>
          %dma_start3A_45 = arith.constant 0 : i32
          %dma_start3A_46 = tpu.memref_slice %arg11[%mul3A_40, %dma_start3A_45] : memref<10000x128xf32, #tpu.memory_space<vmem_shared>> -> memref<80x128xf32, #tpu.memory_space<vmem_shared>>
          tpu.enqueue_dma source(%dma_start3A_46 : memref<80x128xf32, #tpu.memory_space<vmem_shared>>) target(%dma_start3A_44 : memref<80x128xf32, #tpu.memory_space<hbm>>) target_semaphore(%run_scoped3A : memref<!tpu.dma_semaphore, #tpu.memory_space<semaphore_mem>>)
          %dma_wait3A = arith.constant 0 : i32
          %dma_wait3A_47 = tpu.memref_slice %arg6[%arg0, %mul3A_42, %dma_wait3A] : memref<2x10000x128xf32, #tpu.memory_space<hbm>> -> memref<1x80x128xf32, #tpu.memory_space<hbm>>
          %dma_wait3A_48 = tpu.memref_squeeze %dma_wait3A_47 : memref<1x80x128xf32, #tpu.memory_space<hbm>> -> memref<80x128xf32, #tpu.memory_space<hbm>>
          %dma_wait3A_49 = arith.constant 0 : i32
          %dma_wait3A_50 = tpu.memref_slice %arg11[%mul3A_40, %dma_wait3A_49] : memref<10000x128xf32, #tpu.memory_space<vmem_shared>> -> memref<80x128xf32, #tpu.memory_space<vmem_shared>>
          tpu.wait_dma2 semaphore(%run_scoped3A : memref<!tpu.dma_semaphore, #tpu.memory_space<semaphore_mem>>) src(%dma_wait3A_50 : memref<80x128xf32, #tpu.memory_space<vmem_shared>>) dst(%dma_wait3A_48 : memref<80x128xf32, #tpu.memory_space<hbm>>)
          tpu.yield
        }) : () -> ()
      } else {
      }
      %scan3A_38 = arith.constant 0 : i32
      scf.yield %scan3A_38 : i32
    }
    %scan3A_30 = arith.constant 8 : i32
    return
  }
}

#map = affine_map<(d0, d1) -> (0, 0)>
#map1 = affine_map<(d0, d1) -> (0)>
#map2 = affine_map<(d0, d1) -> (0, 0, 0)>
module attributes {stable_mosaic.version = 14 : i64} {
  func.func @agg(%arg0: i32, %arg1: i32, %arg2: memref<160000x128xf32, #tpu.memory_space<hbm>>, %arg3: memref<323584xi32, #tpu.memory_space<hbm>>, %arg4: memref<323584xi32, #tpu.memory_space<hbm>>, %arg5: memref<323584x16xf32, #tpu.memory_space<hbm>>, %arg6: memref<2x10000x128xf32, #tpu.memory_space<hbm>>, %arg7: memref<128xi32, #tpu.memory_space<vmem>>, %arg8: memref<128xi32, #tpu.memory_space<vmem>>, %arg9: memref<128x16xf32, #tpu.memory_space<vmem>>, %arg10: memref<128x128xf32, #tpu.memory_space<vmem>>, %arg11: memref<10000x128xf32, #tpu.memory_space<vmem_shared>>, %arg12: memref<!tpu.dma_semaphore, #tpu.memory_space<semaphore_mem>>) attributes {dimension_semantics = [#tpu.dimension_semantics<core_parallel>, #tpu.dimension_semantics<subcore_parallel>], iteration_bounds = array<i64: 2, 16>, scalar_prefetch = 0 : i64, scratch_operands = 6 : i64, tpu.core_type = #tpu.core_type<sc_vector_subcore>, window_params = [{transform_indices = #map}, {transform_indices = #map1}, {transform_indices = #map1}, {transform_indices = #map}, {transform_indices = #map2}]} {
    %mul3A = arith.constant 16 : i32
    %mul3A_0 = arith.muli %arg0, %mul3A : i32
    %add3A = arith.addi %mul3A_0, %arg1 : i32
    %scan3A = arith.constant 0 : i32
    %scan3A_1 = arith.constant 0 : i32
    %scan3A_2 = arith.constant 80 : i32
    %scan3A_3 = arith.addi %scan3A_1, %scan3A_2 : i32
    %scan3A_4 = arith.constant 1 : i32
    %scan3A_5 = scf.for %scan3A_31 = %scan3A_1 to %scan3A_3 step %scan3A_4 iter_args(%scan3A_32 = %scan3A) -> (i32)  : i32 {
      %broadcast_in_dim3A = arith.constant 0.000000e+00 : f32
      %broadcast_in_dim3A_33 = vector.broadcast %broadcast_in_dim3A : f32 to vector<16xf32>
      %swap3A = arith.index_cast %scan3A_31 : i32 to index
      %swap3A_34 = arith.constant 0 : index
      %swap3A_35 = tpu.vector_load %arg10[%swap3A, %swap3A_34] {strides = array<i32>} : memref<128x128xf32, #tpu.memory_space<vmem>>, vector<1x16xf32>,
      %swap3A_36 = vector.shape_cast %swap3A_35 : vector<1x16xf32> to vector<16xf32>
      %swap3A_37 = vector.shape_cast %broadcast_in_dim3A_33 : vector<16xf32> to vector<1x16xf32>
      tpu.vector_store %arg10[%swap3A, %swap3A_34], %swap3A_37 {strides = array<i32>} : memref<128x128xf32, #tpu.memory_space<vmem>>, vector<1x16xf32>,
      %broadcast_in_dim3A_38 = arith.constant 0.000000e+00 : f32
      %broadcast_in_dim3A_39 = vector.broadcast %broadcast_in_dim3A_38 : f32 to vector<16xf32>
      %swap3A_40 = arith.index_cast %scan3A_31 : i32 to index
      %swap3A_41 = arith.constant 16 : index
      %swap3A_42 = tpu.vector_load %arg10[%swap3A_40, %swap3A_41] {strides = array<i32>} : memref<128x128xf32, #tpu.memory_space<vmem>>, vector<1x16xf32>,
      %swap3A_43 = vector.shape_cast %swap3A_42 : vector<1x16xf32> to vector<16xf32>
      %swap3A_44 = vector.shape_cast %broadcast_in_dim3A_39 : vector<16xf32> to vector<1x16xf32>
      tpu.vector_store %arg10[%swap3A_40, %swap3A_41], %swap3A_44 {strides = array<i32>} : memref<128x128xf32, #tpu.memory_space<vmem>>, vector<1x16xf32>,
      %broadcast_in_dim3A_45 = arith.constant 0.000000e+00 : f32
      %broadcast_in_dim3A_46 = vector.broadcast %broadcast_in_dim3A_45 : f32 to vector<16xf32>
      %swap3A_47 = arith.index_cast %scan3A_31 : i32 to index
      %swap3A_48 = arith.constant 32 : index
      %swap3A_49 = tpu.vector_load %arg10[%swap3A_47, %swap3A_48] {strides = array<i32>} : memref<128x128xf32, #tpu.memory_space<vmem>>, vector<1x16xf32>,
      %swap3A_50 = vector.shape_cast %swap3A_49 : vector<1x16xf32> to vector<16xf32>
      %swap3A_51 = vector.shape_cast %broadcast_in_dim3A_46 : vector<16xf32> to vector<1x16xf32>
      tpu.vector_store %arg10[%swap3A_47, %swap3A_48], %swap3A_51 {strides = array<i32>} : memref<128x128xf32, #tpu.memory_space<vmem>>, vector<1x16xf32>,
      %broadcast_in_dim3A_52 = arith.constant 0.000000e+00 : f32
      %broadcast_in_dim3A_53 = vector.broadcast %broadcast_in_dim3A_52 : f32 to vector<16xf32>
      %swap3A_54 = arith.index_cast %scan3A_31 : i32 to index
      %swap3A_55 = arith.constant 48 : index
      %swap3A_56 = tpu.vector_load %arg10[%swap3A_54, %swap3A_55] {strides = array<i32>} : memref<128x128xf32, #tpu.memory_space<vmem>>, vector<1x16xf32>,
      %swap3A_57 = vector.shape_cast %swap3A_56 : vector<1x16xf32> to vector<16xf32>
      %swap3A_58 = vector.shape_cast %broadcast_in_dim3A_53 : vector<16xf32> to vector<1x16xf32>
      tpu.vector_store %arg10[%swap3A_54, %swap3A_55], %swap3A_58 {strides = array<i32>} : memref<128x128xf32, #tpu.memory_space<vmem>>, vector<1x16xf32>,
      %broadcast_in_dim3A_59 = arith.constant 0.000000e+00 : f32
      %broadcast_in_dim3A_60 = vector.broadcast %broadcast_in_dim3A_59 : f32 to vector<16xf32>
      %swap3A_61 = arith.index_cast %scan3A_31 : i32 to index
      %swap3A_62 = arith.constant 64 : index
      %swap3A_63 = tpu.vector_load %arg10[%swap3A_61, %swap3A_62] {strides = array<i32>} : memref<128x128xf32, #tpu.memory_space<vmem>>, vector<1x16xf32>,
      %swap3A_64 = vector.shape_cast %swap3A_63 : vector<1x16xf32> to vector<16xf32>
      %swap3A_65 = vector.shape_cast %broadcast_in_dim3A_60 : vector<16xf32> to vector<1x16xf32>
      tpu.vector_store %arg10[%swap3A_61, %swap3A_62], %swap3A_65 {strides = array<i32>} : memref<128x128xf32, #tpu.memory_space<vmem>>, vector<1x16xf32>,
      %broadcast_in_dim3A_66 = arith.constant 0.000000e+00 : f32
      %broadcast_in_dim3A_67 = vector.broadcast %broadcast_in_dim3A_66 : f32 to vector<16xf32>
      %swap3A_68 = arith.index_cast %scan3A_31 : i32 to index
      %swap3A_69 = arith.constant 80 : index
      %swap3A_70 = tpu.vector_load %arg10[%swap3A_68, %swap3A_69] {strides = array<i32>} : memref<128x128xf32, #tpu.memory_space<vmem>>, vector<1x16xf32>,
      %swap3A_71 = vector.shape_cast %swap3A_70 : vector<1x16xf32> to vector<16xf32>
      %swap3A_72 = vector.shape_cast %broadcast_in_dim3A_67 : vector<16xf32> to vector<1x16xf32>
      tpu.vector_store %arg10[%swap3A_68, %swap3A_69], %swap3A_72 {strides = array<i32>} : memref<128x128xf32, #tpu.memory_space<vmem>>, vector<1x16xf32>,
      %broadcast_in_dim3A_73 = arith.constant 0.000000e+00 : f32
      %broadcast_in_dim3A_74 = vector.broadcast %broadcast_in_dim3A_73 : f32 to vector<16xf32>
      %swap3A_75 = arith.index_cast %scan3A_31 : i32 to index
      %swap3A_76 = arith.constant 96 : index
      %swap3A_77 = tpu.vector_load %arg10[%swap3A_75, %swap3A_76] {strides = array<i32>} : memref<128x128xf32, #tpu.memory_space<vmem>>, vector<1x16xf32>,
      %swap3A_78 = vector.shape_cast %swap3A_77 : vector<1x16xf32> to vector<16xf32>
      %swap3A_79 = vector.shape_cast %broadcast_in_dim3A_74 : vector<16xf32> to vector<1x16xf32>
      tpu.vector_store %arg10[%swap3A_75, %swap3A_76], %swap3A_79 {strides = array<i32>} : memref<128x128xf32, #tpu.memory_space<vmem>>, vector<1x16xf32>,
      %broadcast_in_dim3A_80 = arith.constant 0.000000e+00 : f32
      %broadcast_in_dim3A_81 = vector.broadcast %broadcast_in_dim3A_80 : f32 to vector<16xf32>
      %swap3A_82 = arith.index_cast %scan3A_31 : i32 to index
      %swap3A_83 = arith.constant 112 : index
      %swap3A_84 = tpu.vector_load %arg10[%swap3A_82, %swap3A_83] {strides = array<i32>} : memref<128x128xf32, #tpu.memory_space<vmem>>, vector<1x16xf32>,
      %swap3A_85 = vector.shape_cast %swap3A_84 : vector<1x16xf32> to vector<16xf32>
      %swap3A_86 = vector.shape_cast %broadcast_in_dim3A_81 : vector<16xf32> to vector<1x16xf32>
      tpu.vector_store %arg10[%swap3A_82, %swap3A_83], %swap3A_86 {strides = array<i32>} : memref<128x128xf32, #tpu.memory_space<vmem>>, vector<1x16xf32>,
      %scan3A_87 = arith.constant 0 : i32
      scf.yield %scan3A_87 : i32
    }
    %scan3A_6 = arith.constant 80 : i32
    %scan3A_7 = arith.constant 0 : i32
    %scan3A_8 = arith.constant 0 : i32
    %scan3A_9 = arith.constant 8 : i32
    %scan3A_10 = arith.addi %scan3A_8, %scan3A_9 : i32
    %scan3A_11 = arith.constant 1 : i32
    %scan3A_12 = scf.for %scan3A_31 = %scan3A_8 to %scan3A_10 step %scan3A_11 iter_args(%scan3A_32 = %scan3A_7) -> (i32)  : i32 {
      %mul3A_33 = arith.constant 16 : i32
      %mul3A_34 = arith.muli %mul3A_33, %scan3A_31 : i32
      %add3A_35 = arith.addi %arg1, %mul3A_34 : i32
      %lt3A = arith.constant 125 : i32
      %lt3A_36 = arith.cmpi slt, %add3A_35, %lt3A : i32
      %convert_element_type3A = arith.extui %lt3A_36 : i1 to i32
      %cond3A = arith.constant 0 : i32
      %cond3A_37 = arith.cmpi ne, %convert_element_type3A, %cond3A : i32
      scf.if %cond3A_37 {
        %mul3A_39 = arith.constant 80 : i32
        %mul3A_40 = arith.muli %add3A_35, %mul3A_39 : i32
        "tpu.region"() ({
          %run_scoped3A = tpu.sem_alloc : memref<!tpu.dma_semaphore, #tpu.memory_space<semaphore_mem>>
          %dma_start3A = arith.constant 0 : i32
          %dma_start3A_41 = arith.constant 0 : i32
          %dma_start3A_42 = tpu.memref_slice %arg10[%dma_start3A, %dma_start3A_41] : memref<128x128xf32, #tpu.memory_space<vmem>> -> memref<80x128xf32, #tpu.memory_space<vmem>>
          %dma_start3A_43 = arith.constant 0 : i32
          %dma_start3A_44 = tpu.memref_slice %arg11[%mul3A_40, %dma_start3A_43] : memref<10000x128xf32, #tpu.memory_space<vmem_shared>> -> memref<80x128xf32, #tpu.memory_space<vmem_shared>>
          %dma_start3A_45 = arith.constant 0 : i32
          %dma_start3A_46 = tpu.memref_slice %arg11[%mul3A_40, %dma_start3A_45] : memref<10000x128xf32, #tpu.memory_space<vmem_shared>> -> memref<80x128xf32, #tpu.memory_space<vmem_shared>>
          %dma_start3A_47 = arith.constant 0 : i32
          %dma_start3A_48 = arith.constant 0 : i32
          %dma_start3A_49 = tpu.memref_slice %arg10[%dma_start3A_47, %dma_start3A_48] : memref<128x128xf32, #tpu.memory_space<vmem>> -> memref<80x128xf32, #tpu.memory_space<vmem>>
          tpu.enqueue_dma source(%dma_start3A_49 : memref<80x128xf32, #tpu.memory_space<vmem>>) target(%dma_start3A_46 : memref<80x128xf32, #tpu.memory_space<vmem_shared>>) target_semaphore(%run_scoped3A : memref<!tpu.dma_semaphore, #tpu.memory_space<semaphore_mem>>)
          %dma_wait3A = arith.constant 0 : i32
          %dma_wait3A_50 = arith.constant 0 : i32
          %dma_wait3A_51 = tpu.memref_slice %arg10[%dma_wait3A, %dma_wait3A_50] : memref<128x128xf32, #tpu.memory_space<vmem>> -> memref<80x128xf32, #tpu.memory_space<vmem>>
          %dma_wait3A_52 = arith.constant 0 : i32
          %dma_wait3A_53 = tpu.memref_slice %arg11[%mul3A_40, %dma_wait3A_52] : memref<10000x128xf32, #tpu.memory_space<vmem_shared>> -> memref<80x128xf32, #tpu.memory_space<vmem_shared>>
          %dma_wait3A_54 = arith.constant 0 : i32
          %dma_wait3A_55 = tpu.memref_slice %arg11[%mul3A_40, %dma_wait3A_54] : memref<10000x128xf32, #tpu.memory_space<vmem_shared>> -> memref<80x128xf32, #tpu.memory_space<vmem_shared>>
          %dma_wait3A_56 = arith.constant 0 : i32
          %dma_wait3A_57 = arith.constant 0 : i32
          %dma_wait3A_58 = tpu.memref_slice %arg10[%dma_wait3A_56, %dma_wait3A_57] : memref<128x128xf32, #tpu.memory_space<vmem>> -> memref<80x128xf32, #tpu.memory_space<vmem>>
          tpu.wait_dma2 semaphore(%run_scoped3A : memref<!tpu.dma_semaphore, #tpu.memory_space<semaphore_mem>>) src(%dma_wait3A_58 : memref<80x128xf32, #tpu.memory_space<vmem>>) dst(%dma_wait3A_55 : memref<80x128xf32, #tpu.memory_space<vmem_shared>>)
          tpu.yield
        }) : () -> ()
      } else {
      }
      %scan3A_38 = arith.constant 0 : i32
      scf.yield %scan3A_38 : i32
    }
    %scan3A_13 = arith.constant 8 : i32
    %barrier3A = arith.constant 0 : index
    tpu.barrier barrier_id(%barrier3A)
    %mul3A_14 = arith.constant 10112 : i32
    %mul3A_15 = arith.muli %add3A, %mul3A_14 : i32
    %scan3A_16 = arith.constant 0 : i32
    %scan3A_17 = arith.constant 0 : i32
    %scan3A_18 = arith.constant 79 : i32
    %scan3A_19 = arith.addi %scan3A_17, %scan3A_18 : i32
    %scan3A_20 = arith.constant 1 : i32
    %scan3A_21 = scf.for %scan3A_31 = %scan3A_17 to %scan3A_19 step %scan3A_20 iter_args(%scan3A_32 = %scan3A_16) -> (i32)  : i32 {
      %mul3A_33 = arith.constant 128 : i32
      %mul3A_34 = arith.muli %scan3A_31, %mul3A_33 : i32
      %add3A_35 = arith.addi %mul3A_15, %mul3A_34 : i32
      "tpu.region"() ({
        %run_scoped3A = tpu.sem_alloc : memref<!tpu.dma_semaphore, #tpu.memory_space<semaphore_mem>>
        %dma_start3A_48 = tpu.memref_slice %arg3[%add3A_35] : memref<323584xi32, #tpu.memory_space<hbm>> -> memref<128xi32, #tpu.memory_space<hbm>>
        %dma_start3A_49 = tpu.memref_slice %arg3[%add3A_35] : memref<323584xi32, #tpu.memory_space<hbm>> -> memref<128xi32, #tpu.memory_space<hbm>>
        tpu.enqueue_dma source(%dma_start3A_49 : memref<128xi32, #tpu.memory_space<hbm>>) target(%arg7 : memref<128xi32, #tpu.memory_space<vmem>>) target_semaphore(%run_scoped3A : memref<!tpu.dma_semaphore, #tpu.memory_space<semaphore_mem>>)
        %dma_wait3A_50 = tpu.memref_slice %arg3[%add3A_35] : memref<323584xi32, #tpu.memory_space<hbm>> -> memref<128xi32, #tpu.memory_space<hbm>>
        %dma_wait3A_51 = tpu.memref_slice %arg3[%add3A_35] : memref<323584xi32, #tpu.memory_space<hbm>> -> memref<128xi32, #tpu.memory_space<hbm>>
        tpu.wait_dma2 semaphore(%run_scoped3A : memref<!tpu.dma_semaphore, #tpu.memory_space<semaphore_mem>>) src(%dma_wait3A_51 : memref<128xi32, #tpu.memory_space<hbm>>) dst(%arg7 : memref<128xi32, #tpu.memory_space<vmem>>)
        tpu.yield
      }) : () -> ()
      "tpu.region"() ({
        %run_scoped3A = tpu.sem_alloc : memref<!tpu.dma_semaphore, #tpu.memory_space<semaphore_mem>>
        %dma_start3A_48 = tpu.memref_slice %arg4[%add3A_35] : memref<323584xi32, #tpu.memory_space<hbm>> -> memref<128xi32, #tpu.memory_space<hbm>>
        %dma_start3A_49 = tpu.memref_slice %arg4[%add3A_35] : memref<323584xi32, #tpu.memory_space<hbm>> -> memref<128xi32, #tpu.memory_space<hbm>>
        tpu.enqueue_dma source(%dma_start3A_49 : memref<128xi32, #tpu.memory_space<hbm>>) target(%arg8 : memref<128xi32, #tpu.memory_space<vmem>>) target_semaphore(%run_scoped3A : memref<!tpu.dma_semaphore, #tpu.memory_space<semaphore_mem>>)
        %dma_wait3A_50 = tpu.memref_slice %arg4[%add3A_35] : memref<323584xi32, #tpu.memory_space<hbm>> -> memref<128xi32, #tpu.memory_space<hbm>>
        %dma_wait3A_51 = tpu.memref_slice %arg4[%add3A_35] : memref<323584xi32, #tpu.memory_space<hbm>> -> memref<128xi32, #tpu.memory_space<hbm>>
        tpu.wait_dma2 semaphore(%run_scoped3A : memref<!tpu.dma_semaphore, #tpu.memory_space<semaphore_mem>>) src(%dma_wait3A_51 : memref<128xi32, #tpu.memory_space<hbm>>) dst(%arg8 : memref<128xi32, #tpu.memory_space<vmem>>)
        tpu.yield
      }) : () -> ()
      "tpu.region"() ({
        %run_scoped3A = tpu.sem_alloc : memref<!tpu.dma_semaphore, #tpu.memory_space<semaphore_mem>>
        %dma_start3A_48 = arith.constant 0 : i32
        %dma_start3A_49 = tpu.memref_slice %arg5[%add3A_35, %dma_start3A_48] : memref<323584x16xf32, #tpu.memory_space<hbm>> -> memref<128x16xf32, #tpu.memory_space<hbm>>
        %dma_start3A_50 = arith.constant 0 : i32
        %dma_start3A_51 = tpu.memref_slice %arg5[%add3A_35, %dma_start3A_50] : memref<323584x16xf32, #tpu.memory_space<hbm>> -> memref<128x16xf32, #tpu.memory_space<hbm>>
        tpu.enqueue_dma source(%dma_start3A_51 : memref<128x16xf32, #tpu.memory_space<hbm>>) target(%arg9 : memref<128x16xf32, #tpu.memory_space<vmem>>) target_semaphore(%run_scoped3A : memref<!tpu.dma_semaphore, #tpu.memory_space<semaphore_mem>>)
        %dma_wait3A_52 = arith.constant 0 : i32
        %dma_wait3A_53 = tpu.memref_slice %arg5[%add3A_35, %dma_wait3A_52] : memref<323584x16xf32, #tpu.memory_space<hbm>> -> memref<128x16xf32, #tpu.memory_space<hbm>>
        %dma_wait3A_54 = arith.constant 0 : i32
        %dma_wait3A_55 = tpu.memref_slice %arg5[%add3A_35, %dma_wait3A_54] : memref<323584x16xf32, #tpu.memory_space<hbm>> -> memref<128x16xf32, #tpu.memory_space<hbm>>
        tpu.wait_dma2 semaphore(%run_scoped3A : memref<!tpu.dma_semaphore, #tpu.memory_space<semaphore_mem>>) src(%dma_wait3A_55 : memref<128x16xf32, #tpu.memory_space<hbm>>) dst(%arg9 : memref<128x16xf32, #tpu.memory_space<vmem>>)
        tpu.yield
      }) : () -> ()
      %dma_start3A = arith.constant 0 : i32
      %dma_start3A_36 = arith.constant 0 : i32
      %dma_start3A_37 = tpu.memref_slice %arg2[%dma_start3A, %dma_start3A_36] : memref<160000x128xf32, #tpu.memory_space<hbm>> -> memref<160000x128xf32, #tpu.memory_space<hbm>>
      tpu.enqueue_indirect_dma source(%dma_start3A_37 : memref<160000x128xf32, #tpu.memory_space<hbm>>) target(%arg10 : memref<128x128xf32, #tpu.memory_space<vmem>>) offsets(%arg7 : memref<128xi32, #tpu.memory_space<vmem>>) semaphore(%arg12 : memref<!tpu.dma_semaphore, #tpu.memory_space<semaphore_mem>>)
      %dma_wait3A = arith.constant 0 : i32
      %dma_wait3A_38 = arith.constant 0 : i32
      %dma_wait3A_39 = tpu.memref_slice %arg2[%dma_wait3A, %dma_wait3A_38] : memref<160000x128xf32, #tpu.memory_space<hbm>> -> memref<160000x128xf32, #tpu.memory_space<hbm>>
      tpu.wait_indirect_dma semaphore(%arg12 : memref<!tpu.dma_semaphore, #tpu.memory_space<semaphore_mem>>) src(%dma_wait3A_39 : memref<160000x128xf32, #tpu.memory_space<hbm>>) dst(%arg10 : memref<128x128xf32, #tpu.memory_space<vmem>>)
      %scan3A_40 = arith.constant 0 : i32
      %scan3A_41 = arith.constant 0 : i32
      %scan3A_42 = arith.constant 128 : i32
      %scan3A_43 = arith.addi %scan3A_41, %scan3A_42 : i32
      %scan3A_44 = arith.constant 1 : i32
      %scan3A_45 = scf.for %scan3A_48 = %scan3A_41 to %scan3A_43 step %scan3A_44 iter_args(%scan3A_49 = %scan3A_40) -> (i32)  : i32 {
        %get3A = arith.index_cast %scan3A_48 : i32 to index
        %get3A_50 = arith.constant 0 : index
        %get3A_51 = tpu.vector_load %arg9[%get3A, %get3A_50] {strides = array<i32>} : memref<128x16xf32, #tpu.memory_space<vmem>>, vector<1x16xf32>,
        %get3A_52 = vector.shape_cast %get3A_51 : vector<1x16xf32> to vector<16xf32>
        %get3A_53 = arith.index_cast %scan3A_48 : i32 to index
        %get3A_54 = arith.constant 0 : index
        %get3A_55 = tpu.vector_load %arg10[%get3A_53, %get3A_54] {strides = array<i32>} : memref<128x128xf32, #tpu.memory_space<vmem>>, vector<1x16xf32>,
        %get3A_56 = vector.shape_cast %get3A_55 : vector<1x16xf32> to vector<16xf32>
        %mul3A_57 = arith.mulf %get3A_56, %get3A_52 : vector<16xf32>
        %swap3A = arith.index_cast %scan3A_48 : i32 to index
        %swap3A_58 = arith.constant 0 : index
        %swap3A_59 = tpu.vector_load %arg10[%swap3A, %swap3A_58] {strides = array<i32>} : memref<128x128xf32, #tpu.memory_space<vmem>>, vector<1x16xf32>,
        %swap3A_60 = vector.shape_cast %swap3A_59 : vector<1x16xf32> to vector<16xf32>
        %swap3A_61 = vector.shape_cast %mul3A_57 : vector<16xf32> to vector<1x16xf32>
        tpu.vector_store %arg10[%swap3A, %swap3A_58], %swap3A_61 {strides = array<i32>} : memref<128x128xf32, #tpu.memory_space<vmem>>, vector<1x16xf32>,
        %get3A_62 = arith.index_cast %scan3A_48 : i32 to index
        %get3A_63 = arith.constant 16 : index
        %get3A_64 = tpu.vector_load %arg10[%get3A_62, %get3A_63] {strides = array<i32>} : memref<128x128xf32, #tpu.memory_space<vmem>>, vector<1x16xf32>,
        %get3A_65 = vector.shape_cast %get3A_64 : vector<1x16xf32> to vector<16xf32>
        %mul3A_66 = arith.mulf %get3A_65, %get3A_52 : vector<16xf32>
        %swap3A_67 = arith.index_cast %scan3A_48 : i32 to index
        %swap3A_68 = arith.constant 16 : index
        %swap3A_69 = tpu.vector_load %arg10[%swap3A_67, %swap3A_68] {strides = array<i32>} : memref<128x128xf32, #tpu.memory_space<vmem>>, vector<1x16xf32>,
        %swap3A_70 = vector.shape_cast %swap3A_69 : vector<1x16xf32> to vector<16xf32>
        %swap3A_71 = vector.shape_cast %mul3A_66 : vector<16xf32> to vector<1x16xf32>
        tpu.vector_store %arg10[%swap3A_67, %swap3A_68], %swap3A_71 {strides = array<i32>} : memref<128x128xf32, #tpu.memory_space<vmem>>, vector<1x16xf32>,
        %get3A_72 = arith.index_cast %scan3A_48 : i32 to index
        %get3A_73 = arith.constant 32 : index
        %get3A_74 = tpu.vector_load %arg10[%get3A_72, %get3A_73] {strides = array<i32>} : memref<128x128xf32, #tpu.memory_space<vmem>>, vector<1x16xf32>,
        %get3A_75 = vector.shape_cast %get3A_74 : vector<1x16xf32> to vector<16xf32>
        %mul3A_76 = arith.mulf %get3A_75, %get3A_52 : vector<16xf32>
        %swap3A_77 = arith.index_cast %scan3A_48 : i32 to index
        %swap3A_78 = arith.constant 32 : index
        %swap3A_79 = tpu.vector_load %arg10[%swap3A_77, %swap3A_78] {strides = array<i32>} : memref<128x128xf32, #tpu.memory_space<vmem>>, vector<1x16xf32>,
        %swap3A_80 = vector.shape_cast %swap3A_79 : vector<1x16xf32> to vector<16xf32>
        %swap3A_81 = vector.shape_cast %mul3A_76 : vector<16xf32> to vector<1x16xf32>
        tpu.vector_store %arg10[%swap3A_77, %swap3A_78], %swap3A_81 {strides = array<i32>} : memref<128x128xf32, #tpu.memory_space<vmem>>, vector<1x16xf32>,
        %get3A_82 = arith.index_cast %scan3A_48 : i32 to index
        %get3A_83 = arith.constant 48 : index
        %get3A_84 = tpu.vector_load %arg10[%get3A_82, %get3A_83] {strides = array<i32>} : memref<128x128xf32, #tpu.memory_space<vmem>>, vector<1x16xf32>,
        %get3A_85 = vector.shape_cast %get3A_84 : vector<1x16xf32> to vector<16xf32>
        %mul3A_86 = arith.mulf %get3A_85, %get3A_52 : vector<16xf32>
        %swap3A_87 = arith.index_cast %scan3A_48 : i32 to index
        %swap3A_88 = arith.constant 48 : index
        %swap3A_89 = tpu.vector_load %arg10[%swap3A_87, %swap3A_88] {strides = array<i32>} : memref<128x128xf32, #tpu.memory_space<vmem>>, vector<1x16xf32>,
        %swap3A_90 = vector.shape_cast %swap3A_89 : vector<1x16xf32> to vector<16xf32>
        %swap3A_91 = vector.shape_cast %mul3A_86 : vector<16xf32> to vector<1x16xf32>
        tpu.vector_store %arg10[%swap3A_87, %swap3A_88], %swap3A_91 {strides = array<i32>} : memref<128x128xf32, #tpu.memory_space<vmem>>, vector<1x16xf32>,
        %get3A_92 = arith.index_cast %scan3A_48 : i32 to index
        %get3A_93 = arith.constant 64 : index
        %get3A_94 = tpu.vector_load %arg10[%get3A_92, %get3A_93] {strides = array<i32>} : memref<128x128xf32, #tpu.memory_space<vmem>>, vector<1x16xf32>,
        %get3A_95 = vector.shape_cast %get3A_94 : vector<1x16xf32> to vector<16xf32>
        %mul3A_96 = arith.mulf %get3A_95, %get3A_52 : vector<16xf32>
        %swap3A_97 = arith.index_cast %scan3A_48 : i32 to index
        %swap3A_98 = arith.constant 64 : index
        %swap3A_99 = tpu.vector_load %arg10[%swap3A_97, %swap3A_98] {strides = array<i32>} : memref<128x128xf32, #tpu.memory_space<vmem>>, vector<1x16xf32>,
        %swap3A_100 = vector.shape_cast %swap3A_99 : vector<1x16xf32> to vector<16xf32>
        %swap3A_101 = vector.shape_cast %mul3A_96 : vector<16xf32> to vector<1x16xf32>
        tpu.vector_store %arg10[%swap3A_97, %swap3A_98], %swap3A_101 {strides = array<i32>} : memref<128x128xf32, #tpu.memory_space<vmem>>, vector<1x16xf32>,
        %get3A_102 = arith.index_cast %scan3A_48 : i32 to index
        %get3A_103 = arith.constant 80 : index
        %get3A_104 = tpu.vector_load %arg10[%get3A_102, %get3A_103] {strides = array<i32>} : memref<128x128xf32, #tpu.memory_space<vmem>>, vector<1x16xf32>,
        %get3A_105 = vector.shape_cast %get3A_104 : vector<1x16xf32> to vector<16xf32>
        %mul3A_106 = arith.mulf %get3A_105, %get3A_52 : vector<16xf32>
        %swap3A_107 = arith.index_cast %scan3A_48 : i32 to index
        %swap3A_108 = arith.constant 80 : index
        %swap3A_109 = tpu.vector_load %arg10[%swap3A_107, %swap3A_108] {strides = array<i32>} : memref<128x128xf32, #tpu.memory_space<vmem>>, vector<1x16xf32>,
        %swap3A_110 = vector.shape_cast %swap3A_109 : vector<1x16xf32> to vector<16xf32>
        %swap3A_111 = vector.shape_cast %mul3A_106 : vector<16xf32> to vector<1x16xf32>
        tpu.vector_store %arg10[%swap3A_107, %swap3A_108], %swap3A_111 {strides = array<i32>} : memref<128x128xf32, #tpu.memory_space<vmem>>, vector<1x16xf32>,
        %get3A_112 = arith.index_cast %scan3A_48 : i32 to index
        %get3A_113 = arith.constant 96 : index
        %get3A_114 = tpu.vector_load %arg10[%get3A_112, %get3A_113] {strides = array<i32>} : memref<128x128xf32, #tpu.memory_space<vmem>>, vector<1x16xf32>,
        %get3A_115 = vector.shape_cast %get3A_114 : vector<1x16xf32> to vector<16xf32>
        %mul3A_116 = arith.mulf %get3A_115, %get3A_52 : vector<16xf32>
        %swap3A_117 = arith.index_cast %scan3A_48 : i32 to index
        %swap3A_118 = arith.constant 96 : index
        %swap3A_119 = tpu.vector_load %arg10[%swap3A_117, %swap3A_118] {strides = array<i32>} : memref<128x128xf32, #tpu.memory_space<vmem>>, vector<1x16xf32>,
        %swap3A_120 = vector.shape_cast %swap3A_119 : vector<1x16xf32> to vector<16xf32>
        %swap3A_121 = vector.shape_cast %mul3A_116 : vector<16xf32> to vector<1x16xf32>
        tpu.vector_store %arg10[%swap3A_117, %swap3A_118], %swap3A_121 {strides = array<i32>} : memref<128x128xf32, #tpu.memory_space<vmem>>, vector<1x16xf32>,
        %get3A_122 = arith.index_cast %scan3A_48 : i32 to index
        %get3A_123 = arith.constant 112 : index
        %get3A_124 = tpu.vector_load %arg10[%get3A_122, %get3A_123] {strides = array<i32>} : memref<128x128xf32, #tpu.memory_space<vmem>>, vector<1x16xf32>,
        %get3A_125 = vector.shape_cast %get3A_124 : vector<1x16xf32> to vector<16xf32>
        %mul3A_126 = arith.mulf %get3A_125, %get3A_52 : vector<16xf32>
        %swap3A_127 = arith.index_cast %scan3A_48 : i32 to index
        %swap3A_128 = arith.constant 112 : index
        %swap3A_129 = tpu.vector_load %arg10[%swap3A_127, %swap3A_128] {strides = array<i32>} : memref<128x128xf32, #tpu.memory_space<vmem>>, vector<1x16xf32>,
        %swap3A_130 = vector.shape_cast %swap3A_129 : vector<1x16xf32> to vector<16xf32>
        %swap3A_131 = vector.shape_cast %mul3A_126 : vector<16xf32> to vector<1x16xf32>
        tpu.vector_store %arg10[%swap3A_127, %swap3A_128], %swap3A_131 {strides = array<i32>} : memref<128x128xf32, #tpu.memory_space<vmem>>, vector<1x16xf32>,
        %scan3A_132 = arith.constant 0 : i32
        scf.yield %scan3A_132 : i32
      }
      %scan3A_46 = arith.constant 128 : i32
      "tpu.region"() ({
        %run_scoped3A = tpu.sem_alloc : memref<!tpu.dma_semaphore, #tpu.memory_space<semaphore_mem>>
        %dma_start3A_48 = arith.constant 0 : i32
        %dma_start3A_49 = arith.constant 0 : i32
        %dma_start3A_50 = tpu.memref_slice %arg11[%dma_start3A_48, %dma_start3A_49] : memref<10000x128xf32, #tpu.memory_space<vmem_shared>> -> memref<10000x128xf32, #tpu.memory_space<vmem_shared>>
        tpu.enqueue_indirect_dma source(%arg10 : memref<128x128xf32, #tpu.memory_space<vmem>>) target(%dma_start3A_50 : memref<10000x128xf32, #tpu.memory_space<vmem_shared>>) offsets(%arg8 : memref<128xi32, #tpu.memory_space<vmem>>) semaphore(%run_scoped3A : memref<!tpu.dma_semaphore, #tpu.memory_space<semaphore_mem>>) {add = true}
        %dma_wait3A_51 = arith.constant 0 : i32
        %dma_wait3A_52 = arith.constant 0 : i32
        %dma_wait3A_53 = tpu.memref_slice %arg11[%dma_wait3A_51, %dma_wait3A_52] : memref<10000x128xf32, #tpu.memory_space<vmem_shared>> -> memref<10000x128xf32, #tpu.memory_space<vmem_shared>>
        tpu.wait_indirect_dma semaphore(%run_scoped3A : memref<!tpu.dma_semaphore, #tpu.memory_space<semaphore_mem>>) src(%arg10 : memref<128x128xf32, #tpu.memory_space<vmem>>) dst(%dma_wait3A_53 : memref<10000x128xf32, #tpu.memory_space<vmem_shared>>)
        tpu.yield
      }) : () -> ()
      %scan3A_47 = arith.constant 0 : i32
      scf.yield %scan3A_47 : i32
    }
    %scan3A_22 = arith.constant 79 : i32
    %barrier3A_23 = arith.constant 0 : index
    tpu.barrier barrier_id(%barrier3A_23)
    %scan3A_24 = arith.constant 0 : i32
    %scan3A_25 = arith.constant 0 : i32
    %scan3A_26 = arith.constant 8 : i32
    %scan3A_27 = arith.addi %scan3A_25, %scan3A_26 : i32
    %scan3A_28 = arith.constant 1 : i32
    %scan3A_29 = scf.for %scan3A_31 = %scan3A_25 to %scan3A_27 step %scan3A_28 iter_args(%scan3A_32 = %scan3A_24) -> (i32)  : i32 {
      %mul3A_33 = arith.constant 16 : i32
      %mul3A_34 = arith.muli %mul3A_33, %scan3A_31 : i32
      %add3A_35 = arith.addi %arg1, %mul3A_34 : i32
      %lt3A = arith.constant 125 : i32
      %lt3A_36 = arith.cmpi slt, %add3A_35, %lt3A : i32
      %convert_element_type3A = arith.extui %lt3A_36 : i1 to i32
      %cond3A = arith.constant 0 : i32
      %cond3A_37 = arith.cmpi ne, %convert_element_type3A, %cond3A : i32
      scf.if %cond3A_37 {
        %mul3A_39 = arith.constant 80 : i32
        %mul3A_40 = arith.muli %add3A_35, %mul3A_39 : i32
        %mul3A_41 = arith.constant 80 : i32
        %mul3A_42 = arith.muli %add3A_35, %mul3A_41 : i32
        "tpu.region"() ({
          %run_scoped3A = tpu.sem_alloc : memref<!tpu.dma_semaphore, #tpu.memory_space<semaphore_mem>>
          %dma_start3A = arith.constant 0 : i32
          %dma_start3A_43 = tpu.memref_slice %arg6[%arg0, %mul3A_42, %dma_start3A] : memref<2x10000x128xf32, #tpu.memory_space<hbm>> -> memref<1x80x128xf32, #tpu.memory_space<hbm>>
          %dma_start3A_44 = tpu.memref_squeeze %dma_start3A_43 : memref<1x80x128xf32, #tpu.memory_space<hbm>> -> memref<80x128xf32, #tpu.memory_space<hbm>>
          %dma_start3A_45 = arith.constant 0 : i32
          %dma_start3A_46 = tpu.memref_slice %arg11[%mul3A_40, %dma_start3A_45] : memref<10000x128xf32, #tpu.memory_space<vmem_shared>> -> memref<80x128xf32, #tpu.memory_space<vmem_shared>>
          tpu.enqueue_dma source(%dma_start3A_46 : memref<80x128xf32, #tpu.memory_space<vmem_shared>>) target(%dma_start3A_44 : memref<80x128xf32, #tpu.memory_space<hbm>>) target_semaphore(%run_scoped3A : memref<!tpu.dma_semaphore, #tpu.memory_space<semaphore_mem>>)
          %dma_wait3A = arith.constant 0 : i32
          %dma_wait3A_47 = tpu.memref_slice %arg6[%arg0, %mul3A_42, %dma_wait3A] : memref<2x10000x128xf32, #tpu.memory_space<hbm>> -> memref<1x80x128xf32, #tpu.memory_space<hbm>>
          %dma_wait3A_48 = tpu.memref_squeeze %dma_wait3A_47 : memref<1x80x128xf32, #tpu.memory_space<hbm>> -> memref<80x128xf32, #tpu.memory_space<hbm>>
          %dma_wait3A_49 = arith.constant 0 : i32
          %dma_wait3A_50 = tpu.memref_slice %arg11[%mul3A_40, %dma_wait3A_49] : memref<10000x128xf32, #tpu.memory_space<vmem_shared>> -> memref<80x128xf32, #tpu.memory_space<vmem_shared>>
          tpu.wait_dma2 semaphore(%run_scoped3A : memref<!tpu.dma_semaphore, #tpu.memory_space<semaphore_mem>>) src(%dma_wait3A_50 : memref<80x128xf32, #tpu.memory_space<vmem_shared>>) dst(%dma_wait3A_48 : memref<80x128xf32, #tpu.memory_space<hbm>>)
          tpu.yield
        }) : () -> ()
      } else {
      }
      %scan3A_38 = arith.constant 0 : i32
      scf.yield %scan3A_38 : i32
    }
    %scan3A_30 = arith.constant 8 : i32
    return
  }
}

#map = affine_map<(d0, d1) -> (0, 0)>
#map1 = affine_map<(d0, d1) -> (0)>
#map2 = affine_map<(d0, d1) -> (0, 0, 0)>
module attributes {stable_mosaic.version = 14 : i64} {
  func.func @agg(%arg0: i32, %arg1: i32, %arg2: memref<160000x128xf32, #tpu.memory_space<hbm>>, %arg3: memref<323584xi32, #tpu.memory_space<hbm>>, %arg4: memref<323584xi32, #tpu.memory_space<hbm>>, %arg5: memref<323584x16xf32, #tpu.memory_space<hbm>>, %arg6: memref<2x10000x128xf32, #tpu.memory_space<hbm>>, %arg7: memref<128xi32, #tpu.memory_space<vmem>>, %arg8: memref<128xi32, #tpu.memory_space<vmem>>, %arg9: memref<128x16xf32, #tpu.memory_space<vmem>>, %arg10: memref<128x128xf32, #tpu.memory_space<vmem>>, %arg11: memref<10000x128xf32, #tpu.memory_space<vmem_shared>>, %arg12: memref<!tpu.dma_semaphore, #tpu.memory_space<semaphore_mem>>) attributes {dimension_semantics = [#tpu.dimension_semantics<core_parallel>, #tpu.dimension_semantics<subcore_parallel>], iteration_bounds = array<i64: 2, 16>, scalar_prefetch = 0 : i64, scratch_operands = 6 : i64, tpu.core_type = #tpu.core_type<sc_vector_subcore>, window_params = [{transform_indices = #map}, {transform_indices = #map1}, {transform_indices = #map1}, {transform_indices = #map}, {transform_indices = #map2}]} {
    %mul3A = arith.constant 16 : i32
    %mul3A_0 = arith.muli %arg0, %mul3A : i32
    %add3A = arith.addi %mul3A_0, %arg1 : i32
    %scan3A = arith.constant 0 : i32
    %scan3A_1 = arith.constant 0 : i32
    %scan3A_2 = arith.constant 80 : i32
    %scan3A_3 = arith.addi %scan3A_1, %scan3A_2 : i32
    %scan3A_4 = arith.constant 1 : i32
    %scan3A_5 = scf.for %scan3A_31 = %scan3A_1 to %scan3A_3 step %scan3A_4 iter_args(%scan3A_32 = %scan3A) -> (i32)  : i32 {
      %broadcast_in_dim3A = arith.constant 0.000000e+00 : f32
      %broadcast_in_dim3A_33 = vector.broadcast %broadcast_in_dim3A : f32 to vector<16xf32>
      %swap3A = arith.index_cast %scan3A_31 : i32 to index
      %swap3A_34 = arith.constant 0 : index
      %swap3A_35 = tpu.vector_load %arg10[%swap3A, %swap3A_34] {strides = array<i32>} : memref<128x128xf32, #tpu.memory_space<vmem>>, vector<1x16xf32>,
      %swap3A_36 = vector.shape_cast %swap3A_35 : vector<1x16xf32> to vector<16xf32>
      %swap3A_37 = vector.shape_cast %broadcast_in_dim3A_33 : vector<16xf32> to vector<1x16xf32>
      tpu.vector_store %arg10[%swap3A, %swap3A_34], %swap3A_37 {strides = array<i32>} : memref<128x128xf32, #tpu.memory_space<vmem>>, vector<1x16xf32>,
      %broadcast_in_dim3A_38 = arith.constant 0.000000e+00 : f32
      %broadcast_in_dim3A_39 = vector.broadcast %broadcast_in_dim3A_38 : f32 to vector<16xf32>
      %swap3A_40 = arith.index_cast %scan3A_31 : i32 to index
      %swap3A_41 = arith.constant 16 : index
      %swap3A_42 = tpu.vector_load %arg10[%swap3A_40, %swap3A_41] {strides = array<i32>} : memref<128x128xf32, #tpu.memory_space<vmem>>, vector<1x16xf32>,
      %swap3A_43 = vector.shape_cast %swap3A_42 : vector<1x16xf32> to vector<16xf32>
      %swap3A_44 = vector.shape_cast %broadcast_in_dim3A_39 : vector<16xf32> to vector<1x16xf32>
      tpu.vector_store %arg10[%swap3A_40, %swap3A_41], %swap3A_44 {strides = array<i32>} : memref<128x128xf32, #tpu.memory_space<vmem>>, vector<1x16xf32>,
      %broadcast_in_dim3A_45 = arith.constant 0.000000e+00 : f32
      %broadcast_in_dim3A_46 = vector.broadcast %broadcast_in_dim3A_45 : f32 to vector<16xf32>
      %swap3A_47 = arith.index_cast %scan3A_31 : i32 to index
      %swap3A_48 = arith.constant 32 : index
      %swap3A_49 = tpu.vector_load %arg10[%swap3A_47, %swap3A_48] {strides = array<i32>} : memref<128x128xf32, #tpu.memory_space<vmem>>, vector<1x16xf32>,
      %swap3A_50 = vector.shape_cast %swap3A_49 : vector<1x16xf32> to vector<16xf32>
      %swap3A_51 = vector.shape_cast %broadcast_in_dim3A_46 : vector<16xf32> to vector<1x16xf32>
      tpu.vector_store %arg10[%swap3A_47, %swap3A_48], %swap3A_51 {strides = array<i32>} : memref<128x128xf32, #tpu.memory_space<vmem>>, vector<1x16xf32>,
      %broadcast_in_dim3A_52 = arith.constant 0.000000e+00 : f32
      %broadcast_in_dim3A_53 = vector.broadcast %broadcast_in_dim3A_52 : f32 to vector<16xf32>
      %swap3A_54 = arith.index_cast %scan3A_31 : i32 to index
      %swap3A_55 = arith.constant 48 : index
      %swap3A_56 = tpu.vector_load %arg10[%swap3A_54, %swap3A_55] {strides = array<i32>} : memref<128x128xf32, #tpu.memory_space<vmem>>, vector<1x16xf32>,
      %swap3A_57 = vector.shape_cast %swap3A_56 : vector<1x16xf32> to vector<16xf32>
      %swap3A_58 = vector.shape_cast %broadcast_in_dim3A_53 : vector<16xf32> to vector<1x16xf32>
      tpu.vector_store %arg10[%swap3A_54, %swap3A_55], %swap3A_58 {strides = array<i32>} : memref<128x128xf32, #tpu.memory_space<vmem>>, vector<1x16xf32>,
      %broadcast_in_dim3A_59 = arith.constant 0.000000e+00 : f32
      %broadcast_in_dim3A_60 = vector.broadcast %broadcast_in_dim3A_59 : f32 to vector<16xf32>
      %swap3A_61 = arith.index_cast %scan3A_31 : i32 to index
      %swap3A_62 = arith.constant 64 : index
      %swap3A_63 = tpu.vector_load %arg10[%swap3A_61, %swap3A_62] {strides = array<i32>} : memref<128x128xf32, #tpu.memory_space<vmem>>, vector<1x16xf32>,
      %swap3A_64 = vector.shape_cast %swap3A_63 : vector<1x16xf32> to vector<16xf32>
      %swap3A_65 = vector.shape_cast %broadcast_in_dim3A_60 : vector<16xf32> to vector<1x16xf32>
      tpu.vector_store %arg10[%swap3A_61, %swap3A_62], %swap3A_65 {strides = array<i32>} : memref<128x128xf32, #tpu.memory_space<vmem>>, vector<1x16xf32>,
      %broadcast_in_dim3A_66 = arith.constant 0.000000e+00 : f32
      %broadcast_in_dim3A_67 = vector.broadcast %broadcast_in_dim3A_66 : f32 to vector<16xf32>
      %swap3A_68 = arith.index_cast %scan3A_31 : i32 to index
      %swap3A_69 = arith.constant 80 : index
      %swap3A_70 = tpu.vector_load %arg10[%swap3A_68, %swap3A_69] {strides = array<i32>} : memref<128x128xf32, #tpu.memory_space<vmem>>, vector<1x16xf32>,
      %swap3A_71 = vector.shape_cast %swap3A_70 : vector<1x16xf32> to vector<16xf32>
      %swap3A_72 = vector.shape_cast %broadcast_in_dim3A_67 : vector<16xf32> to vector<1x16xf32>
      tpu.vector_store %arg10[%swap3A_68, %swap3A_69], %swap3A_72 {strides = array<i32>} : memref<128x128xf32, #tpu.memory_space<vmem>>, vector<1x16xf32>,
      %broadcast_in_dim3A_73 = arith.constant 0.000000e+00 : f32
      %broadcast_in_dim3A_74 = vector.broadcast %broadcast_in_dim3A_73 : f32 to vector<16xf32>
      %swap3A_75 = arith.index_cast %scan3A_31 : i32 to index
      %swap3A_76 = arith.constant 96 : index
      %swap3A_77 = tpu.vector_load %arg10[%swap3A_75, %swap3A_76] {strides = array<i32>} : memref<128x128xf32, #tpu.memory_space<vmem>>, vector<1x16xf32>,
      %swap3A_78 = vector.shape_cast %swap3A_77 : vector<1x16xf32> to vector<16xf32>
      %swap3A_79 = vector.shape_cast %broadcast_in_dim3A_74 : vector<16xf32> to vector<1x16xf32>
      tpu.vector_store %arg10[%swap3A_75, %swap3A_76], %swap3A_79 {strides = array<i32>} : memref<128x128xf32, #tpu.memory_space<vmem>>, vector<1x16xf32>,
      %broadcast_in_dim3A_80 = arith.constant 0.000000e+00 : f32
      %broadcast_in_dim3A_81 = vector.broadcast %broadcast_in_dim3A_80 : f32 to vector<16xf32>
      %swap3A_82 = arith.index_cast %scan3A_31 : i32 to index
      %swap3A_83 = arith.constant 112 : index
      %swap3A_84 = tpu.vector_load %arg10[%swap3A_82, %swap3A_83] {strides = array<i32>} : memref<128x128xf32, #tpu.memory_space<vmem>>, vector<1x16xf32>,
      %swap3A_85 = vector.shape_cast %swap3A_84 : vector<1x16xf32> to vector<16xf32>
      %swap3A_86 = vector.shape_cast %broadcast_in_dim3A_81 : vector<16xf32> to vector<1x16xf32>
      tpu.vector_store %arg10[%swap3A_82, %swap3A_83], %swap3A_86 {strides = array<i32>} : memref<128x128xf32, #tpu.memory_space<vmem>>, vector<1x16xf32>,
      %scan3A_87 = arith.constant 0 : i32
      scf.yield %scan3A_87 : i32
    }
    %scan3A_6 = arith.constant 80 : i32
    %scan3A_7 = arith.constant 0 : i32
    %scan3A_8 = arith.constant 0 : i32
    %scan3A_9 = arith.constant 8 : i32
    %scan3A_10 = arith.addi %scan3A_8, %scan3A_9 : i32
    %scan3A_11 = arith.constant 1 : i32
    %scan3A_12 = scf.for %scan3A_31 = %scan3A_8 to %scan3A_10 step %scan3A_11 iter_args(%scan3A_32 = %scan3A_7) -> (i32)  : i32 {
      %mul3A_33 = arith.constant 16 : i32
      %mul3A_34 = arith.muli %mul3A_33, %scan3A_31 : i32
      %add3A_35 = arith.addi %arg1, %mul3A_34 : i32
      %lt3A = arith.constant 125 : i32
      %lt3A_36 = arith.cmpi slt, %add3A_35, %lt3A : i32
      %convert_element_type3A = arith.extui %lt3A_36 : i1 to i32
      %cond3A = arith.constant 0 : i32
      %cond3A_37 = arith.cmpi ne, %convert_element_type3A, %cond3A : i32
      scf.if %cond3A_37 {
        %mul3A_39 = arith.constant 80 : i32
        %mul3A_40 = arith.muli %add3A_35, %mul3A_39 : i32
        "tpu.region"() ({
          %run_scoped3A = tpu.sem_alloc : memref<!tpu.dma_semaphore, #tpu.memory_space<semaphore_mem>>
          %dma_start3A = arith.constant 0 : i32
          %dma_start3A_41 = arith.constant 0 : i32
          %dma_start3A_42 = tpu.memref_slice %arg10[%dma_start3A, %dma_start3A_41] : memref<128x128xf32, #tpu.memory_space<vmem>> -> memref<80x128xf32, #tpu.memory_space<vmem>>
          %dma_start3A_43 = arith.constant 0 : i32
          %dma_start3A_44 = tpu.memref_slice %arg11[%mul3A_40, %dma_start3A_43] : memref<10000x128xf32, #tpu.memory_space<vmem_shared>> -> memref<80x128xf32, #tpu.memory_space<vmem_shared>>
          %dma_start3A_45 = arith.constant 0 : i32
          %dma_start3A_46 = tpu.memref_slice %arg11[%mul3A_40, %dma_start3A_45] : memref<10000x128xf32, #tpu.memory_space<vmem_shared>> -> memref<80x128xf32, #tpu.memory_space<vmem_shared>>
          %dma_start3A_47 = arith.constant 0 : i32
          %dma_start3A_48 = arith.constant 0 : i32
          %dma_start3A_49 = tpu.memref_slice %arg10[%dma_start3A_47, %dma_start3A_48] : memref<128x128xf32, #tpu.memory_space<vmem>> -> memref<80x128xf32, #tpu.memory_space<vmem>>
          tpu.enqueue_dma source(%dma_start3A_49 : memref<80x128xf32, #tpu.memory_space<vmem>>) target(%dma_start3A_46 : memref<80x128xf32, #tpu.memory_space<vmem_shared>>) target_semaphore(%run_scoped3A : memref<!tpu.dma_semaphore, #tpu.memory_space<semaphore_mem>>)
          %dma_wait3A = arith.constant 0 : i32
          %dma_wait3A_50 = arith.constant 0 : i32
          %dma_wait3A_51 = tpu.memref_slice %arg10[%dma_wait3A, %dma_wait3A_50] : memref<128x128xf32, #tpu.memory_space<vmem>> -> memref<80x128xf32, #tpu.memory_space<vmem>>
          %dma_wait3A_52 = arith.constant 0 : i32
          %dma_wait3A_53 = tpu.memref_slice %arg11[%mul3A_40, %dma_wait3A_52] : memref<10000x128xf32, #tpu.memory_space<vmem_shared>> -> memref<80x128xf32, #tpu.memory_space<vmem_shared>>
          %dma_wait3A_54 = arith.constant 0 : i32
          %dma_wait3A_55 = tpu.memref_slice %arg11[%mul3A_40, %dma_wait3A_54] : memref<10000x128xf32, #tpu.memory_space<vmem_shared>> -> memref<80x128xf32, #tpu.memory_space<vmem_shared>>
          %dma_wait3A_56 = arith.constant 0 : i32
          %dma_wait3A_57 = arith.constant 0 : i32
          %dma_wait3A_58 = tpu.memref_slice %arg10[%dma_wait3A_56, %dma_wait3A_57] : memref<128x128xf32, #tpu.memory_space<vmem>> -> memref<80x128xf32, #tpu.memory_space<vmem>>
          tpu.wait_dma2 semaphore(%run_scoped3A : memref<!tpu.dma_semaphore, #tpu.memory_space<semaphore_mem>>) src(%dma_wait3A_58 : memref<80x128xf32, #tpu.memory_space<vmem>>) dst(%dma_wait3A_55 : memref<80x128xf32, #tpu.memory_space<vmem_shared>>)
          tpu.yield
        }) : () -> ()
      } else {
      }
      %scan3A_38 = arith.constant 0 : i32
      scf.yield %scan3A_38 : i32
    }
    %scan3A_13 = arith.constant 8 : i32
    %barrier3A = arith.constant 0 : index
    tpu.barrier barrier_id(%barrier3A)
    %mul3A_14 = arith.constant 10112 : i32
    %mul3A_15 = arith.muli %add3A, %mul3A_14 : i32
    %scan3A_16 = arith.constant 0 : i32
    %scan3A_17 = arith.constant 0 : i32
    %scan3A_18 = arith.constant 79 : i32
    %scan3A_19 = arith.addi %scan3A_17, %scan3A_18 : i32
    %scan3A_20 = arith.constant 1 : i32
    %scan3A_21 = scf.for %scan3A_31 = %scan3A_17 to %scan3A_19 step %scan3A_20 iter_args(%scan3A_32 = %scan3A_16) -> (i32)  : i32 {
      %mul3A_33 = arith.constant 128 : i32
      %mul3A_34 = arith.muli %scan3A_31, %mul3A_33 : i32
      %add3A_35 = arith.addi %mul3A_15, %mul3A_34 : i32
      "tpu.region"() ({
        %run_scoped3A = tpu.sem_alloc : memref<!tpu.dma_semaphore, #tpu.memory_space<semaphore_mem>>
        %dma_start3A_48 = tpu.memref_slice %arg3[%add3A_35] : memref<323584xi32, #tpu.memory_space<hbm>> -> memref<128xi32, #tpu.memory_space<hbm>>
        %dma_start3A_49 = tpu.memref_slice %arg3[%add3A_35] : memref<323584xi32, #tpu.memory_space<hbm>> -> memref<128xi32, #tpu.memory_space<hbm>>
        tpu.enqueue_dma source(%dma_start3A_49 : memref<128xi32, #tpu.memory_space<hbm>>) target(%arg7 : memref<128xi32, #tpu.memory_space<vmem>>) target_semaphore(%run_scoped3A : memref<!tpu.dma_semaphore, #tpu.memory_space<semaphore_mem>>)
        %dma_wait3A_50 = tpu.memref_slice %arg3[%add3A_35] : memref<323584xi32, #tpu.memory_space<hbm>> -> memref<128xi32, #tpu.memory_space<hbm>>
        %dma_wait3A_51 = tpu.memref_slice %arg3[%add3A_35] : memref<323584xi32, #tpu.memory_space<hbm>> -> memref<128xi32, #tpu.memory_space<hbm>>
        tpu.wait_dma2 semaphore(%run_scoped3A : memref<!tpu.dma_semaphore, #tpu.memory_space<semaphore_mem>>) src(%dma_wait3A_51 : memref<128xi32, #tpu.memory_space<hbm>>) dst(%arg7 : memref<128xi32, #tpu.memory_space<vmem>>)
        tpu.yield
      }) : () -> ()
      "tpu.region"() ({
        %run_scoped3A = tpu.sem_alloc : memref<!tpu.dma_semaphore, #tpu.memory_space<semaphore_mem>>
        %dma_start3A_48 = tpu.memref_slice %arg4[%add3A_35] : memref<323584xi32, #tpu.memory_space<hbm>> -> memref<128xi32, #tpu.memory_space<hbm>>
        %dma_start3A_49 = tpu.memref_slice %arg4[%add3A_35] : memref<323584xi32, #tpu.memory_space<hbm>> -> memref<128xi32, #tpu.memory_space<hbm>>
        tpu.enqueue_dma source(%dma_start3A_49 : memref<128xi32, #tpu.memory_space<hbm>>) target(%arg8 : memref<128xi32, #tpu.memory_space<vmem>>) target_semaphore(%run_scoped3A : memref<!tpu.dma_semaphore, #tpu.memory_space<semaphore_mem>>)
        %dma_wait3A_50 = tpu.memref_slice %arg4[%add3A_35] : memref<323584xi32, #tpu.memory_space<hbm>> -> memref<128xi32, #tpu.memory_space<hbm>>
        %dma_wait3A_51 = tpu.memref_slice %arg4[%add3A_35] : memref<323584xi32, #tpu.memory_space<hbm>> -> memref<128xi32, #tpu.memory_space<hbm>>
        tpu.wait_dma2 semaphore(%run_scoped3A : memref<!tpu.dma_semaphore, #tpu.memory_space<semaphore_mem>>) src(%dma_wait3A_51 : memref<128xi32, #tpu.memory_space<hbm>>) dst(%arg8 : memref<128xi32, #tpu.memory_space<vmem>>)
        tpu.yield
      }) : () -> ()
      "tpu.region"() ({
        %run_scoped3A = tpu.sem_alloc : memref<!tpu.dma_semaphore, #tpu.memory_space<semaphore_mem>>
        %dma_start3A_48 = arith.constant 0 : i32
        %dma_start3A_49 = tpu.memref_slice %arg5[%add3A_35, %dma_start3A_48] : memref<323584x16xf32, #tpu.memory_space<hbm>> -> memref<128x16xf32, #tpu.memory_space<hbm>>
        %dma_start3A_50 = arith.constant 0 : i32
        %dma_start3A_51 = tpu.memref_slice %arg5[%add3A_35, %dma_start3A_50] : memref<323584x16xf32, #tpu.memory_space<hbm>> -> memref<128x16xf32, #tpu.memory_space<hbm>>
        tpu.enqueue_dma source(%dma_start3A_51 : memref<128x16xf32, #tpu.memory_space<hbm>>) target(%arg9 : memref<128x16xf32, #tpu.memory_space<vmem>>) target_semaphore(%run_scoped3A : memref<!tpu.dma_semaphore, #tpu.memory_space<semaphore_mem>>)
        %dma_wait3A_52 = arith.constant 0 : i32
        %dma_wait3A_53 = tpu.memref_slice %arg5[%add3A_35, %dma_wait3A_52] : memref<323584x16xf32, #tpu.memory_space<hbm>> -> memref<128x16xf32, #tpu.memory_space<hbm>>
        %dma_wait3A_54 = arith.constant 0 : i32
        %dma_wait3A_55 = tpu.memref_slice %arg5[%add3A_35, %dma_wait3A_54] : memref<323584x16xf32, #tpu.memory_space<hbm>> -> memref<128x16xf32, #tpu.memory_space<hbm>>
        tpu.wait_dma2 semaphore(%run_scoped3A : memref<!tpu.dma_semaphore, #tpu.memory_space<semaphore_mem>>) src(%dma_wait3A_55 : memref<128x16xf32, #tpu.memory_space<hbm>>) dst(%arg9 : memref<128x16xf32, #tpu.memory_space<vmem>>)
        tpu.yield
      }) : () -> ()
      %dma_start3A = arith.constant 0 : i32
      %dma_start3A_36 = arith.constant 0 : i32
      %dma_start3A_37 = tpu.memref_slice %arg2[%dma_start3A, %dma_start3A_36] : memref<160000x128xf32, #tpu.memory_space<hbm>> -> memref<160000x128xf32, #tpu.memory_space<hbm>>
      tpu.enqueue_indirect_dma source(%dma_start3A_37 : memref<160000x128xf32, #tpu.memory_space<hbm>>) target(%arg10 : memref<128x128xf32, #tpu.memory_space<vmem>>) offsets(%arg7 : memref<128xi32, #tpu.memory_space<vmem>>) semaphore(%arg12 : memref<!tpu.dma_semaphore, #tpu.memory_space<semaphore_mem>>)
      %dma_wait3A = arith.constant 0 : i32
      %dma_wait3A_38 = arith.constant 0 : i32
      %dma_wait3A_39 = tpu.memref_slice %arg2[%dma_wait3A, %dma_wait3A_38] : memref<160000x128xf32, #tpu.memory_space<hbm>> -> memref<160000x128xf32, #tpu.memory_space<hbm>>
      tpu.wait_indirect_dma semaphore(%arg12 : memref<!tpu.dma_semaphore, #tpu.memory_space<semaphore_mem>>) src(%dma_wait3A_39 : memref<160000x128xf32, #tpu.memory_space<hbm>>) dst(%arg10 : memref<128x128xf32, #tpu.memory_space<vmem>>)
      %scan3A_40 = arith.constant 0 : i32
      %scan3A_41 = arith.constant 0 : i32
      %scan3A_42 = arith.constant 128 : i32
      %scan3A_43 = arith.addi %scan3A_41, %scan3A_42 : i32
      %scan3A_44 = arith.constant 1 : i32
      %scan3A_45 = scf.for %scan3A_48 = %scan3A_41 to %scan3A_43 step %scan3A_44 iter_args(%scan3A_49 = %scan3A_40) -> (i32)  : i32 {
        %get3A = arith.index_cast %scan3A_48 : i32 to index
        %get3A_50 = arith.constant 0 : index
        %get3A_51 = tpu.vector_load %arg9[%get3A, %get3A_50] {strides = array<i32>} : memref<128x16xf32, #tpu.memory_space<vmem>>, vector<1x16xf32>,
        %get3A_52 = vector.shape_cast %get3A_51 : vector<1x16xf32> to vector<16xf32>
        %get3A_53 = arith.index_cast %scan3A_48 : i32 to index
        %get3A_54 = arith.constant 0 : index
        %get3A_55 = tpu.vector_load %arg10[%get3A_53, %get3A_54] {strides = array<i32>} : memref<128x128xf32, #tpu.memory_space<vmem>>, vector<1x16xf32>,
        %get3A_56 = vector.shape_cast %get3A_55 : vector<1x16xf32> to vector<16xf32>
        %mul3A_57 = arith.mulf %get3A_56, %get3A_52 : vector<16xf32>
        %swap3A = arith.index_cast %scan3A_48 : i32 to index
        %swap3A_58 = arith.constant 0 : index
        %swap3A_59 = tpu.vector_load %arg10[%swap3A, %swap3A_58] {strides = array<i32>} : memref<128x128xf32, #tpu.memory_space<vmem>>, vector<1x16xf32>,
        %swap3A_60 = vector.shape_cast %swap3A_59 : vector<1x16xf32> to vector<16xf32>
        %swap3A_61 = vector.shape_cast %mul3A_57 : vector<16xf32> to vector<1x16xf32>
        tpu.vector_store %arg10[%swap3A, %swap3A_58], %swap3A_61 {strides = array<i32>} : memref<128x128xf32, #tpu.memory_space<vmem>>, vector<1x16xf32>,
        %get3A_62 = arith.index_cast %scan3A_48 : i32 to index
        %get3A_63 = arith.constant 16 : index
        %get3A_64 = tpu.vector_load %arg10[%get3A_62, %get3A_63] {strides = array<i32>} : memref<128x128xf32, #tpu.memory_space<vmem>>, vector<1x16xf32>,
        %get3A_65 = vector.shape_cast %get3A_64 : vector<1x16xf32> to vector<16xf32>
        %mul3A_66 = arith.mulf %get3A_65, %get3A_52 : vector<16xf32>
        %swap3A_67 = arith.index_cast %scan3A_48 : i32 to index
        %swap3A_68 = arith.constant 16 : index
        %swap3A_69 = tpu.vector_load %arg10[%swap3A_67, %swap3A_68] {strides = array<i32>} : memref<128x128xf32, #tpu.memory_space<vmem>>, vector<1x16xf32>,
        %swap3A_70 = vector.shape_cast %swap3A_69 : vector<1x16xf32> to vector<16xf32>
        %swap3A_71 = vector.shape_cast %mul3A_66 : vector<16xf32> to vector<1x16xf32>
        tpu.vector_store %arg10[%swap3A_67, %swap3A_68], %swap3A_71 {strides = array<i32>} : memref<128x128xf32, #tpu.memory_space<vmem>>, vector<1x16xf32>,
        %get3A_72 = arith.index_cast %scan3A_48 : i32 to index
        %get3A_73 = arith.constant 32 : index
        %get3A_74 = tpu.vector_load %arg10[%get3A_72, %get3A_73] {strides = array<i32>} : memref<128x128xf32, #tpu.memory_space<vmem>>, vector<1x16xf32>,
        %get3A_75 = vector.shape_cast %get3A_74 : vector<1x16xf32> to vector<16xf32>
        %mul3A_76 = arith.mulf %get3A_75, %get3A_52 : vector<16xf32>
        %swap3A_77 = arith.index_cast %scan3A_48 : i32 to index
        %swap3A_78 = arith.constant 32 : index
        %swap3A_79 = tpu.vector_load %arg10[%swap3A_77, %swap3A_78] {strides = array<i32>} : memref<128x128xf32, #tpu.memory_space<vmem>>, vector<1x16xf32>,
        %swap3A_80 = vector.shape_cast %swap3A_79 : vector<1x16xf32> to vector<16xf32>
        %swap3A_81 = vector.shape_cast %mul3A_76 : vector<16xf32> to vector<1x16xf32>
        tpu.vector_store %arg10[%swap3A_77, %swap3A_78], %swap3A_81 {strides = array<i32>} : memref<128x128xf32, #tpu.memory_space<vmem>>, vector<1x16xf32>,
        %get3A_82 = arith.index_cast %scan3A_48 : i32 to index
        %get3A_83 = arith.constant 48 : index
        %get3A_84 = tpu.vector_load %arg10[%get3A_82, %get3A_83] {strides = array<i32>} : memref<128x128xf32, #tpu.memory_space<vmem>>, vector<1x16xf32>,
        %get3A_85 = vector.shape_cast %get3A_84 : vector<1x16xf32> to vector<16xf32>
        %mul3A_86 = arith.mulf %get3A_85, %get3A_52 : vector<16xf32>
        %swap3A_87 = arith.index_cast %scan3A_48 : i32 to index
        %swap3A_88 = arith.constant 48 : index
        %swap3A_89 = tpu.vector_load %arg10[%swap3A_87, %swap3A_88] {strides = array<i32>} : memref<128x128xf32, #tpu.memory_space<vmem>>, vector<1x16xf32>,
        %swap3A_90 = vector.shape_cast %swap3A_89 : vector<1x16xf32> to vector<16xf32>
        %swap3A_91 = vector.shape_cast %mul3A_86 : vector<16xf32> to vector<1x16xf32>
        tpu.vector_store %arg10[%swap3A_87, %swap3A_88], %swap3A_91 {strides = array<i32>} : memref<128x128xf32, #tpu.memory_space<vmem>>, vector<1x16xf32>,
        %get3A_92 = arith.index_cast %scan3A_48 : i32 to index
        %get3A_93 = arith.constant 64 : index
        %get3A_94 = tpu.vector_load %arg10[%get3A_92, %get3A_93] {strides = array<i32>} : memref<128x128xf32, #tpu.memory_space<vmem>>, vector<1x16xf32>,
        %get3A_95 = vector.shape_cast %get3A_94 : vector<1x16xf32> to vector<16xf32>
        %mul3A_96 = arith.mulf %get3A_95, %get3A_52 : vector<16xf32>
        %swap3A_97 = arith.index_cast %scan3A_48 : i32 to index
        %swap3A_98 = arith.constant 64 : index
        %swap3A_99 = tpu.vector_load %arg10[%swap3A_97, %swap3A_98] {strides = array<i32>} : memref<128x128xf32, #tpu.memory_space<vmem>>, vector<1x16xf32>,
        %swap3A_100 = vector.shape_cast %swap3A_99 : vector<1x16xf32> to vector<16xf32>
        %swap3A_101 = vector.shape_cast %mul3A_96 : vector<16xf32> to vector<1x16xf32>
        tpu.vector_store %arg10[%swap3A_97, %swap3A_98], %swap3A_101 {strides = array<i32>} : memref<128x128xf32, #tpu.memory_space<vmem>>, vector<1x16xf32>,
        %get3A_102 = arith.index_cast %scan3A_48 : i32 to index
        %get3A_103 = arith.constant 80 : index
        %get3A_104 = tpu.vector_load %arg10[%get3A_102, %get3A_103] {strides = array<i32>} : memref<128x128xf32, #tpu.memory_space<vmem>>, vector<1x16xf32>,
        %get3A_105 = vector.shape_cast %get3A_104 : vector<1x16xf32> to vector<16xf32>
        %mul3A_106 = arith.mulf %get3A_105, %get3A_52 : vector<16xf32>
        %swap3A_107 = arith.index_cast %scan3A_48 : i32 to index
        %swap3A_108 = arith.constant 80 : index
        %swap3A_109 = tpu.vector_load %arg10[%swap3A_107, %swap3A_108] {strides = array<i32>} : memref<128x128xf32, #tpu.memory_space<vmem>>, vector<1x16xf32>,
        %swap3A_110 = vector.shape_cast %swap3A_109 : vector<1x16xf32> to vector<16xf32>
        %swap3A_111 = vector.shape_cast %mul3A_106 : vector<16xf32> to vector<1x16xf32>
        tpu.vector_store %arg10[%swap3A_107, %swap3A_108], %swap3A_111 {strides = array<i32>} : memref<128x128xf32, #tpu.memory_space<vmem>>, vector<1x16xf32>,
        %get3A_112 = arith.index_cast %scan3A_48 : i32 to index
        %get3A_113 = arith.constant 96 : index
        %get3A_114 = tpu.vector_load %arg10[%get3A_112, %get3A_113] {strides = array<i32>} : memref<128x128xf32, #tpu.memory_space<vmem>>, vector<1x16xf32>,
        %get3A_115 = vector.shape_cast %get3A_114 : vector<1x16xf32> to vector<16xf32>
        %mul3A_116 = arith.mulf %get3A_115, %get3A_52 : vector<16xf32>
        %swap3A_117 = arith.index_cast %scan3A_48 : i32 to index
        %swap3A_118 = arith.constant 96 : index
        %swap3A_119 = tpu.vector_load %arg10[%swap3A_117, %swap3A_118] {strides = array<i32>} : memref<128x128xf32, #tpu.memory_space<vmem>>, vector<1x16xf32>,
        %swap3A_120 = vector.shape_cast %swap3A_119 : vector<1x16xf32> to vector<16xf32>
        %swap3A_121 = vector.shape_cast %mul3A_116 : vector<16xf32> to vector<1x16xf32>
        tpu.vector_store %arg10[%swap3A_117, %swap3A_118], %swap3A_121 {strides = array<i32>} : memref<128x128xf32, #tpu.memory_space<vmem>>, vector<1x16xf32>,
        %get3A_122 = arith.index_cast %scan3A_48 : i32 to index
        %get3A_123 = arith.constant 112 : index
        %get3A_124 = tpu.vector_load %arg10[%get3A_122, %get3A_123] {strides = array<i32>} : memref<128x128xf32, #tpu.memory_space<vmem>>, vector<1x16xf32>,
        %get3A_125 = vector.shape_cast %get3A_124 : vector<1x16xf32> to vector<16xf32>
        %mul3A_126 = arith.mulf %get3A_125, %get3A_52 : vector<16xf32>
        %swap3A_127 = arith.index_cast %scan3A_48 : i32 to index
        %swap3A_128 = arith.constant 112 : index
        %swap3A_129 = tpu.vector_load %arg10[%swap3A_127, %swap3A_128] {strides = array<i32>} : memref<128x128xf32, #tpu.memory_space<vmem>>, vector<1x16xf32>,
        %swap3A_130 = vector.shape_cast %swap3A_129 : vector<1x16xf32> to vector<16xf32>
        %swap3A_131 = vector.shape_cast %mul3A_126 : vector<16xf32> to vector<1x16xf32>
        tpu.vector_store %arg10[%swap3A_127, %swap3A_128], %swap3A_131 {strides = array<i32>} : memref<128x128xf32, #tpu.memory_space<vmem>>, vector<1x16xf32>,
        %scan3A_132 = arith.constant 0 : i32
        scf.yield %scan3A_132 : i32
      }
      %scan3A_46 = arith.constant 128 : i32
      "tpu.region"() ({
        %run_scoped3A = tpu.sem_alloc : memref<!tpu.dma_semaphore, #tpu.memory_space<semaphore_mem>>
        %dma_start3A_48 = arith.constant 0 : i32
        %dma_start3A_49 = arith.constant 0 : i32
        %dma_start3A_50 = tpu.memref_slice %arg11[%dma_start3A_48, %dma_start3A_49] : memref<10000x128xf32, #tpu.memory_space<vmem_shared>> -> memref<10000x128xf32, #tpu.memory_space<vmem_shared>>
        tpu.enqueue_indirect_dma source(%arg10 : memref<128x128xf32, #tpu.memory_space<vmem>>) target(%dma_start3A_50 : memref<10000x128xf32, #tpu.memory_space<vmem_shared>>) offsets(%arg8 : memref<128xi32, #tpu.memory_space<vmem>>) semaphore(%run_scoped3A : memref<!tpu.dma_semaphore, #tpu.memory_space<semaphore_mem>>) {add = true}
        %dma_wait3A_51 = arith.constant 0 : i32
        %dma_wait3A_52 = arith.constant 0 : i32
        %dma_wait3A_53 = tpu.memref_slice %arg11[%dma_wait3A_51, %dma_wait3A_52] : memref<10000x128xf32, #tpu.memory_space<vmem_shared>> -> memref<10000x128xf32, #tpu.memory_space<vmem_shared>>
        tpu.wait_indirect_dma semaphore(%run_scoped3A : memref<!tpu.dma_semaphore, #tpu.memory_space<semaphore_mem>>) src(%arg10 : memref<128x128xf32, #tpu.memory_space<vmem>>) dst(%dma_wait3A_53 : memref<10000x128xf32, #tpu.memory_space<vmem_shared>>)
        tpu.yield
      }) : () -> ()
      %scan3A_47 = arith.constant 0 : i32
      scf.yield %scan3A_47 : i32
    }
    %scan3A_22 = arith.constant 79 : i32
    %barrier3A_23 = arith.constant 0 : index
    tpu.barrier barrier_id(%barrier3A_23)
    %scan3A_24 = arith.constant 0 : i32
    %scan3A_25 = arith.constant 0 : i32
    %scan3A_26 = arith.constant 8 : i32
    %scan3A_27 = arith.addi %scan3A_25, %scan3A_26 : i32
    %scan3A_28 = arith.constant 1 : i32
    %scan3A_29 = scf.for %scan3A_31 = %scan3A_25 to %scan3A_27 step %scan3A_28 iter_args(%scan3A_32 = %scan3A_24) -> (i32)  : i32 {
      %mul3A_33 = arith.constant 16 : i32
      %mul3A_34 = arith.muli %mul3A_33, %scan3A_31 : i32
      %add3A_35 = arith.addi %arg1, %mul3A_34 : i32
      %lt3A = arith.constant 125 : i32
      %lt3A_36 = arith.cmpi slt, %add3A_35, %lt3A : i32
      %convert_element_type3A = arith.extui %lt3A_36 : i1 to i32
      %cond3A = arith.constant 0 : i32
      %cond3A_37 = arith.cmpi ne, %convert_element_type3A, %cond3A : i32
      scf.if %cond3A_37 {
        %mul3A_39 = arith.constant 80 : i32
        %mul3A_40 = arith.muli %add3A_35, %mul3A_39 : i32
        %mul3A_41 = arith.constant 80 : i32
        %mul3A_42 = arith.muli %add3A_35, %mul3A_41 : i32
        "tpu.region"() ({
          %run_scoped3A = tpu.sem_alloc : memref<!tpu.dma_semaphore, #tpu.memory_space<semaphore_mem>>
          %dma_start3A = arith.constant 0 : i32
          %dma_start3A_43 = tpu.memref_slice %arg6[%arg0, %mul3A_42, %dma_start3A] : memref<2x10000x128xf32, #tpu.memory_space<hbm>> -> memref<1x80x128xf32, #tpu.memory_space<hbm>>
          %dma_start3A_44 = tpu.memref_squeeze %dma_start3A_43 : memref<1x80x128xf32, #tpu.memory_space<hbm>> -> memref<80x128xf32, #tpu.memory_space<hbm>>
          %dma_start3A_45 = arith.constant 0 : i32
          %dma_start3A_46 = tpu.memref_slice %arg11[%mul3A_40, %dma_start3A_45] : memref<10000x128xf32, #tpu.memory_space<vmem_shared>> -> memref<80x128xf32, #tpu.memory_space<vmem_shared>>
          tpu.enqueue_dma source(%dma_start3A_46 : memref<80x128xf32, #tpu.memory_space<vmem_shared>>) target(%dma_start3A_44 : memref<80x128xf32, #tpu.memory_space<hbm>>) target_semaphore(%run_scoped3A : memref<!tpu.dma_semaphore, #tpu.memory_space<semaphore_mem>>)
          %dma_wait3A = arith.constant 0 : i32
          %dma_wait3A_47 = tpu.memref_slice %arg6[%arg0, %mul3A_42, %dma_wait3A] : memref<2x10000x128xf32, #tpu.memory_space<hbm>> -> memref<1x80x128xf32, #tpu.memory_space<hbm>>
          %dma_wait3A_48 = tpu.memref_squeeze %dma_wait3A_47 : memref<1x80x128xf32, #tpu.memory_space<hbm>> -> memref<80x128xf32, #tpu.memory_space<hbm>>
          %dma_wait3A_49 = arith.constant 0 : i32
          %dma_wait3A_50 = tpu.memref_slice %arg11[%mul3A_40, %dma_wait3A_49] : memref<10000x128xf32, #tpu.memory_space<vmem_shared>> -> memref<80x128xf32, #tpu.memory_space<vmem_shared>>
          tpu.wait_dma2 semaphore(%run_scoped3A : memref<!tpu.dma_semaphore, #tpu.memory_space<semaphore_mem>>) src(%dma_wait3A_50 : memref<80x128xf32, #tpu.memory_space<vmem_shared>>) dst(%dma_wait3A_48 : memref<80x128xf32, #tpu.memory_space<hbm>>)
          tpu.yield
        }) : () -> ()
      } else {
      }
      %scan3A_38 = arith.constant 0 : i32
      scf.yield %scan3A_38 : i32
    }
    %scan3A_30 = arith.constant 8 : i32
    return
  }
}

module attributes {stable_mosaic.version = 14 : i64} {
  func.func @body(%arg0: i32, %arg1: i32, %arg2: memref<16x8xf32, #tpu.memory_space<smem>>, %arg3: memref<8x1000x128xf32, #tpu.memory_space<vmem>>, %arg4: memref<1x1000x128xf32, #tpu.memory_space<vmem>>) attributes {dimension_semantics = [#tpu.dimension_semantics<arbitrary>, #tpu.dimension_semantics<arbitrary>], iteration_bounds = array<i64: 10, 16>, scalar_prefetch = 0 : i64, scratch_operands = 0 : i64, tpu.core_type = #tpu.core_type<tc>, window_params = [{transform_indices = @transform_0, window_bounds = array<i64: 16, 8>}, {transform_indices = @transform_1, window_bounds = array<i64: 8, 1000, 128>}, {transform_indices = @transform_2, window_bounds = array<i64: 1, 1000, 128>}]} {
    %get3A = arith.index_cast %arg1 : i32 to index
    %get3A_0 = arith.constant 0 : index
    %get3A_1 = memref.load %arg2[%get3A, %get3A_0] : memref<16x8xf32, #tpu.memory_space<smem>>
    %get3A_2 = arith.constant 0 : index
    %get3A_3 = arith.constant 0 : index
    %get3A_4 = arith.constant 0 : index
    %get3A_5 = vector.load %arg3[%get3A_2, %get3A_3, %get3A_4] : memref<8x1000x128xf32, #tpu.memory_space<vmem>>, vector<1x1000x128xf32>
    %get3A_6 = vector.shape_cast %get3A_5 : vector<1x1000x128xf32> to vector<1000x128xf32>
    %mul3A = vector.broadcast %get3A_1 : f32 to vector<1000x128xf32>
    %mul3A_7 = arith.mulf %mul3A, %get3A_6 : vector<1000x128xf32>
    %get3A_8 = arith.index_cast %arg1 : i32 to index
    %get3A_9 = arith.constant 1 : index
    %get3A_10 = memref.load %arg2[%get3A_8, %get3A_9] : memref<16x8xf32, #tpu.memory_space<smem>>
    %get3A_11 = arith.constant 1 : index
    %get3A_12 = arith.constant 0 : index
    %get3A_13 = arith.constant 0 : index
    %get3A_14 = vector.load %arg3[%get3A_11, %get3A_12, %get3A_13] : memref<8x1000x128xf32, #tpu.memory_space<vmem>>, vector<1x1000x128xf32>
    %get3A_15 = vector.shape_cast %get3A_14 : vector<1x1000x128xf32> to vector<1000x128xf32>
    %mul3A_16 = vector.broadcast %get3A_10 : f32 to vector<1000x128xf32>
    %mul3A_17 = arith.mulf %mul3A_16, %get3A_15 : vector<1000x128xf32>
    %add3A = arith.addf %mul3A_7, %mul3A_17 : vector<1000x128xf32>
    %get3A_18 = arith.index_cast %arg1 : i32 to index
    %get3A_19 = arith.constant 2 : index
    %get3A_20 = memref.load %arg2[%get3A_18, %get3A_19] : memref<16x8xf32, #tpu.memory_space<smem>>
    %get3A_21 = arith.constant 2 : index
    %get3A_22 = arith.constant 0 : index
    %get3A_23 = arith.constant 0 : index
    %get3A_24 = vector.load %arg3[%get3A_21, %get3A_22, %get3A_23] : memref<8x1000x128xf32, #tpu.memory_space<vmem>>, vector<1x1000x128xf32>
    %get3A_25 = vector.shape_cast %get3A_24 : vector<1x1000x128xf32> to vector<1000x128xf32>
    %mul3A_26 = vector.broadcast %get3A_20 : f32 to vector<1000x128xf32>
    %mul3A_27 = arith.mulf %mul3A_26, %get3A_25 : vector<1000x128xf32>
    %add3A_28 = arith.addf %add3A, %mul3A_27 : vector<1000x128xf32>
    %get3A_29 = arith.index_cast %arg1 : i32 to index
    %get3A_30 = arith.constant 3 : index
    %get3A_31 = memref.load %arg2[%get3A_29, %get3A_30] : memref<16x8xf32, #tpu.memory_space<smem>>
    %get3A_32 = arith.constant 3 : index
    %get3A_33 = arith.constant 0 : index
    %get3A_34 = arith.constant 0 : index
    %get3A_35 = vector.load %arg3[%get3A_32, %get3A_33, %get3A_34] : memref<8x1000x128xf32, #tpu.memory_space<vmem>>, vector<1x1000x128xf32>
    %get3A_36 = vector.shape_cast %get3A_35 : vector<1x1000x128xf32> to vector<1000x128xf32>
    %mul3A_37 = vector.broadcast %get3A_31 : f32 to vector<1000x128xf32>
    %mul3A_38 = arith.mulf %mul3A_37, %get3A_36 : vector<1000x128xf32>
    %add3A_39 = arith.addf %add3A_28, %mul3A_38 : vector<1000x128xf32>
    %get3A_40 = arith.index_cast %arg1 : i32 to index
    %get3A_41 = arith.constant 4 : index
    %get3A_42 = memref.load %arg2[%get3A_40, %get3A_41] : memref<16x8xf32, #tpu.memory_space<smem>>
    %get3A_43 = arith.constant 4 : index
    %get3A_44 = arith.constant 0 : index
    %get3A_45 = arith.constant 0 : index
    %get3A_46 = vector.load %arg3[%get3A_43, %get3A_44, %get3A_45] : memref<8x1000x128xf32, #tpu.memory_space<vmem>>, vector<1x1000x128xf32>
    %get3A_47 = vector.shape_cast %get3A_46 : vector<1x1000x128xf32> to vector<1000x128xf32>
    %mul3A_48 = vector.broadcast %get3A_42 : f32 to vector<1000x128xf32>
    %mul3A_49 = arith.mulf %mul3A_48, %get3A_47 : vector<1000x128xf32>
    %add3A_50 = arith.addf %add3A_39, %mul3A_49 : vector<1000x128xf32>
    %get3A_51 = arith.index_cast %arg1 : i32 to index
    %get3A_52 = arith.constant 5 : index
    %get3A_53 = memref.load %arg2[%get3A_51, %get3A_52] : memref<16x8xf32, #tpu.memory_space<smem>>
    %get3A_54 = arith.constant 5 : index
    %get3A_55 = arith.constant 0 : index
    %get3A_56 = arith.constant 0 : index
    %get3A_57 = vector.load %arg3[%get3A_54, %get3A_55, %get3A_56] : memref<8x1000x128xf32, #tpu.memory_space<vmem>>, vector<1x1000x128xf32>
    %get3A_58 = vector.shape_cast %get3A_57 : vector<1x1000x128xf32> to vector<1000x128xf32>
    %mul3A_59 = vector.broadcast %get3A_53 : f32 to vector<1000x128xf32>
    %mul3A_60 = arith.mulf %mul3A_59, %get3A_58 : vector<1000x128xf32>
    %add3A_61 = arith.addf %add3A_50, %mul3A_60 : vector<1000x128xf32>
    %get3A_62 = arith.index_cast %arg1 : i32 to index
    %get3A_63 = arith.constant 6 : index
    %get3A_64 = memref.load %arg2[%get3A_62, %get3A_63] : memref<16x8xf32, #tpu.memory_space<smem>>
    %get3A_65 = arith.constant 6 : index
    %get3A_66 = arith.constant 0 : index
    %get3A_67 = arith.constant 0 : index
    %get3A_68 = vector.load %arg3[%get3A_65, %get3A_66, %get3A_67] : memref<8x1000x128xf32, #tpu.memory_space<vmem>>, vector<1x1000x128xf32>
    %get3A_69 = vector.shape_cast %get3A_68 : vector<1x1000x128xf32> to vector<1000x128xf32>
    %mul3A_70 = vector.broadcast %get3A_64 : f32 to vector<1000x128xf32>
    %mul3A_71 = arith.mulf %mul3A_70, %get3A_69 : vector<1000x128xf32>
    %add3A_72 = arith.addf %add3A_61, %mul3A_71 : vector<1000x128xf32>
    %get3A_73 = arith.index_cast %arg1 : i32 to index
    %get3A_74 = arith.constant 7 : index
    %get3A_75 = memref.load %arg2[%get3A_73, %get3A_74] : memref<16x8xf32, #tpu.memory_space<smem>>
    %get3A_76 = arith.constant 7 : index
    %get3A_77 = arith.constant 0 : index
    %get3A_78 = arith.constant 0 : index
    %get3A_79 = vector.load %arg3[%get3A_76, %get3A_77, %get3A_78] : memref<8x1000x128xf32, #tpu.memory_space<vmem>>, vector<1x1000x128xf32>
    %get3A_80 = vector.shape_cast %get3A_79 : vector<1x1000x128xf32> to vector<1000x128xf32>
    %mul3A_81 = vector.broadcast %get3A_75 : f32 to vector<1000x128xf32>
    %mul3A_82 = arith.mulf %mul3A_81, %get3A_80 : vector<1000x128xf32>
    %add3A_83 = arith.addf %add3A_72, %mul3A_82 : vector<1000x128xf32>
    %swap3A = arith.constant 0 : index
    %swap3A_84 = arith.constant 0 : index
    %swap3A_85 = arith.constant 0 : index
    %swap3A_86 = vector.load %arg4[%swap3A, %swap3A_84, %swap3A_85] : memref<1x1000x128xf32, #tpu.memory_space<vmem>>, vector<1x1000x128xf32>
    %swap3A_87 = vector.shape_cast %swap3A_86 : vector<1x1000x128xf32> to vector<1000x128xf32>
    %swap3A_88 = vector.shape_cast %add3A_83 : vector<1000x128xf32> to vector<1x1000x128xf32>
    tpu.vector_store %arg4[%swap3A, %swap3A_84, %swap3A_85], %swap3A_88 {strides = array<i32>} : memref<1x1000x128xf32, #tpu.memory_space<vmem>>, vector<1x1000x128xf32>,
    return
  }
  func.func @transform_0(%arg0: i32, %arg1: i32) -> (i32, i32) {
    %c0_i32 = arith.constant 0 : i32
    %c0_i32_0 = arith.constant 0 : i32
    %c0_i32_1 = arith.constant 0 : i32
    return %c0_i32, %c0_i32_0 : i32, i32
  }
  func.func @transform_1(%arg0: i32, %arg1: i32) -> (i32, i32, i32) {
    %c0_i32 = arith.constant 0 : i32
    %c0_i32_0 = arith.constant 0 : i32
    %c0_i32_1 = arith.constant 0 : i32
    return %c0_i32, %arg0, %c0_i32_0 : i32, i32, i32
  }
  func.func @transform_2(%arg0: i32, %arg1: i32) -> (i32, i32, i32) {
    %c0_i32 = arith.constant 0 : i32
    %c0_i32_0 = arith.constant 0 : i32
    return %arg1, %arg0, %c0_i32 : i32, i32, i32
  }
}

module attributes {stable_mosaic.version = 14 : i64} {
  func.func @body(%arg0: i32, %arg1: i32, %arg2: memref<16x8xf32, #tpu.memory_space<smem>>, %arg3: memref<8x128x128xf32, #tpu.memory_space<vmem>>, %arg4: memref<1x128x128xf32, #tpu.memory_space<vmem>>) attributes {dimension_semantics = [#tpu.dimension_semantics<arbitrary>, #tpu.dimension_semantics<arbitrary>], iteration_bounds = array<i64: 1, 16>, scalar_prefetch = 0 : i64, scratch_operands = 0 : i64, tpu.core_type = #tpu.core_type<tc>, window_params = [{transform_indices = @transform_0, window_bounds = array<i64: 16, 8>}, {transform_indices = @transform_1, window_bounds = array<i64: 8, 128, 128>}, {transform_indices = @transform_2, window_bounds = array<i64: 1, 128, 128>}]} {
    %get3A = arith.index_cast %arg1 : i32 to index
    %get3A_0 = arith.constant 0 : index
    %get3A_1 = memref.load %arg2[%get3A, %get3A_0] : memref<16x8xf32, #tpu.memory_space<smem>>
    %get3A_2 = arith.constant 0 : index
    %get3A_3 = arith.constant 0 : index
    %get3A_4 = arith.constant 0 : index
    %get3A_5 = vector.load %arg3[%get3A_2, %get3A_3, %get3A_4] : memref<8x128x128xf32, #tpu.memory_space<vmem>>, vector<1x128x128xf32>
    %get3A_6 = vector.shape_cast %get3A_5 : vector<1x128x128xf32> to vector<128x128xf32>
    %mul3A = vector.broadcast %get3A_1 : f32 to vector<128x128xf32>
    %mul3A_7 = arith.mulf %mul3A, %get3A_6 : vector<128x128xf32>
    %get3A_8 = arith.index_cast %arg1 : i32 to index
    %get3A_9 = arith.constant 1 : index
    %get3A_10 = memref.load %arg2[%get3A_8, %get3A_9] : memref<16x8xf32, #tpu.memory_space<smem>>
    %get3A_11 = arith.constant 1 : index
    %get3A_12 = arith.constant 0 : index
    %get3A_13 = arith.constant 0 : index
    %get3A_14 = vector.load %arg3[%get3A_11, %get3A_12, %get3A_13] : memref<8x128x128xf32, #tpu.memory_space<vmem>>, vector<1x128x128xf32>
    %get3A_15 = vector.shape_cast %get3A_14 : vector<1x128x128xf32> to vector<128x128xf32>
    %mul3A_16 = vector.broadcast %get3A_10 : f32 to vector<128x128xf32>
    %mul3A_17 = arith.mulf %mul3A_16, %get3A_15 : vector<128x128xf32>
    %add3A = arith.addf %mul3A_7, %mul3A_17 : vector<128x128xf32>
    %get3A_18 = arith.index_cast %arg1 : i32 to index
    %get3A_19 = arith.constant 2 : index
    %get3A_20 = memref.load %arg2[%get3A_18, %get3A_19] : memref<16x8xf32, #tpu.memory_space<smem>>
    %get3A_21 = arith.constant 2 : index
    %get3A_22 = arith.constant 0 : index
    %get3A_23 = arith.constant 0 : index
    %get3A_24 = vector.load %arg3[%get3A_21, %get3A_22, %get3A_23] : memref<8x128x128xf32, #tpu.memory_space<vmem>>, vector<1x128x128xf32>
    %get3A_25 = vector.shape_cast %get3A_24 : vector<1x128x128xf32> to vector<128x128xf32>
    %mul3A_26 = vector.broadcast %get3A_20 : f32 to vector<128x128xf32>
    %mul3A_27 = arith.mulf %mul3A_26, %get3A_25 : vector<128x128xf32>
    %add3A_28 = arith.addf %add3A, %mul3A_27 : vector<128x128xf32>
    %get3A_29 = arith.index_cast %arg1 : i32 to index
    %get3A_30 = arith.constant 3 : index
    %get3A_31 = memref.load %arg2[%get3A_29, %get3A_30] : memref<16x8xf32, #tpu.memory_space<smem>>
    %get3A_32 = arith.constant 3 : index
    %get3A_33 = arith.constant 0 : index
    %get3A_34 = arith.constant 0 : index
    %get3A_35 = vector.load %arg3[%get3A_32, %get3A_33, %get3A_34] : memref<8x128x128xf32, #tpu.memory_space<vmem>>, vector<1x128x128xf32>
    %get3A_36 = vector.shape_cast %get3A_35 : vector<1x128x128xf32> to vector<128x128xf32>
    %mul3A_37 = vector.broadcast %get3A_31 : f32 to vector<128x128xf32>
    %mul3A_38 = arith.mulf %mul3A_37, %get3A_36 : vector<128x128xf32>
    %add3A_39 = arith.addf %add3A_28, %mul3A_38 : vector<128x128xf32>
    %get3A_40 = arith.index_cast %arg1 : i32 to index
    %get3A_41 = arith.constant 4 : index
    %get3A_42 = memref.load %arg2[%get3A_40, %get3A_41] : memref<16x8xf32, #tpu.memory_space<smem>>
    %get3A_43 = arith.constant 4 : index
    %get3A_44 = arith.constant 0 : index
    %get3A_45 = arith.constant 0 : index
    %get3A_46 = vector.load %arg3[%get3A_43, %get3A_44, %get3A_45] : memref<8x128x128xf32, #tpu.memory_space<vmem>>, vector<1x128x128xf32>
    %get3A_47 = vector.shape_cast %get3A_46 : vector<1x128x128xf32> to vector<128x128xf32>
    %mul3A_48 = vector.broadcast %get3A_42 : f32 to vector<128x128xf32>
    %mul3A_49 = arith.mulf %mul3A_48, %get3A_47 : vector<128x128xf32>
    %add3A_50 = arith.addf %add3A_39, %mul3A_49 : vector<128x128xf32>
    %get3A_51 = arith.index_cast %arg1 : i32 to index
    %get3A_52 = arith.constant 5 : index
    %get3A_53 = memref.load %arg2[%get3A_51, %get3A_52] : memref<16x8xf32, #tpu.memory_space<smem>>
    %get3A_54 = arith.constant 5 : index
    %get3A_55 = arith.constant 0 : index
    %get3A_56 = arith.constant 0 : index
    %get3A_57 = vector.load %arg3[%get3A_54, %get3A_55, %get3A_56] : memref<8x128x128xf32, #tpu.memory_space<vmem>>, vector<1x128x128xf32>
    %get3A_58 = vector.shape_cast %get3A_57 : vector<1x128x128xf32> to vector<128x128xf32>
    %mul3A_59 = vector.broadcast %get3A_53 : f32 to vector<128x128xf32>
    %mul3A_60 = arith.mulf %mul3A_59, %get3A_58 : vector<128x128xf32>
    %add3A_61 = arith.addf %add3A_50, %mul3A_60 : vector<128x128xf32>
    %get3A_62 = arith.index_cast %arg1 : i32 to index
    %get3A_63 = arith.constant 6 : index
    %get3A_64 = memref.load %arg2[%get3A_62, %get3A_63] : memref<16x8xf32, #tpu.memory_space<smem>>
    %get3A_65 = arith.constant 6 : index
    %get3A_66 = arith.constant 0 : index
    %get3A_67 = arith.constant 0 : index
    %get3A_68 = vector.load %arg3[%get3A_65, %get3A_66, %get3A_67] : memref<8x128x128xf32, #tpu.memory_space<vmem>>, vector<1x128x128xf32>
    %get3A_69 = vector.shape_cast %get3A_68 : vector<1x128x128xf32> to vector<128x128xf32>
    %mul3A_70 = vector.broadcast %get3A_64 : f32 to vector<128x128xf32>
    %mul3A_71 = arith.mulf %mul3A_70, %get3A_69 : vector<128x128xf32>
    %add3A_72 = arith.addf %add3A_61, %mul3A_71 : vector<128x128xf32>
    %get3A_73 = arith.index_cast %arg1 : i32 to index
    %get3A_74 = arith.constant 7 : index
    %get3A_75 = memref.load %arg2[%get3A_73, %get3A_74] : memref<16x8xf32, #tpu.memory_space<smem>>
    %get3A_76 = arith.constant 7 : index
    %get3A_77 = arith.constant 0 : index
    %get3A_78 = arith.constant 0 : index
    %get3A_79 = vector.load %arg3[%get3A_76, %get3A_77, %get3A_78] : memref<8x128x128xf32, #tpu.memory_space<vmem>>, vector<1x128x128xf32>
    %get3A_80 = vector.shape_cast %get3A_79 : vector<1x128x128xf32> to vector<128x128xf32>
    %mul3A_81 = vector.broadcast %get3A_75 : f32 to vector<128x128xf32>
    %mul3A_82 = arith.mulf %mul3A_81, %get3A_80 : vector<128x128xf32>
    %add3A_83 = arith.addf %add3A_72, %mul3A_82 : vector<128x128xf32>
    %swap3A = arith.constant 0 : index
    %swap3A_84 = arith.constant 0 : index
    %swap3A_85 = arith.constant 0 : index
    %swap3A_86 = vector.load %arg4[%swap3A, %swap3A_84, %swap3A_85] : memref<1x128x128xf32, #tpu.memory_space<vmem>>, vector<1x128x128xf32>
    %swap3A_87 = vector.shape_cast %swap3A_86 : vector<1x128x128xf32> to vector<128x128xf32>
    %swap3A_88 = vector.shape_cast %add3A_83 : vector<128x128xf32> to vector<1x128x128xf32>
    tpu.vector_store %arg4[%swap3A, %swap3A_84, %swap3A_85], %swap3A_88 {strides = array<i32>} : memref<1x128x128xf32, #tpu.memory_space<vmem>>, vector<1x128x128xf32>,
    return
  }
  func.func @transform_0(%arg0: i32, %arg1: i32) -> (i32, i32) {
    %c0_i32 = arith.constant 0 : i32
    %c0_i32_0 = arith.constant 0 : i32
    %c0_i32_1 = arith.constant 0 : i32
    return %c0_i32, %c0_i32_0 : i32, i32
  }
  func.func @transform_1(%arg0: i32, %arg1: i32) -> (i32, i32, i32) {
    %c0_i32 = arith.constant 0 : i32
    %c0_i32_0 = arith.constant 0 : i32
    %c0_i32_1 = arith.constant 0 : i32
    return %c0_i32, %arg0, %c0_i32_0 : i32, i32, i32
  }
  func.func @transform_2(%arg0: i32, %arg1: i32) -> (i32, i32, i32) {
    %c0_i32 = arith.constant 0 : i32
    %c0_i32_0 = arith.constant 0 : i32
    return %arg1, %arg0, %c0_i32 : i32, i32, i32
  }
}

module attributes {stable_mosaic.version = 14 : i64} {
  func.func @body(%arg0: i32, %arg1: i32, %arg2: memref<2x1000x128xf32, #tpu.memory_space<vmem>>, %arg3: memref<1x128x128xf32, #tpu.memory_space<vmem>>, %arg4: memref<1x1000x128xf32, #tpu.memory_space<vmem>>) attributes {dimension_semantics = [#tpu.dimension_semantics<arbitrary>, #tpu.dimension_semantics<arbitrary>], iteration_bounds = array<i64: 10, 16>, scalar_prefetch = 0 : i64, scratch_operands = 0 : i64, tpu.core_type = #tpu.core_type<tc>, window_params = [{transform_indices = @transform_0, window_bounds = array<i64: 2, 1000, 128>}, {transform_indices = @transform_1, window_bounds = array<i64: 1, 128, 128>}, {transform_indices = @transform_2, window_bounds = array<i64: 1, 1000, 128>}]} {
    %get3A = arith.constant 0 : index
    %get3A_0 = arith.constant 0 : index
    %get3A_1 = arith.constant 0 : index
    %get3A_2 = vector.load %arg2[%get3A, %get3A_0, %get3A_1] : memref<2x1000x128xf32, #tpu.memory_space<vmem>>, vector<1x1000x128xf32>
    %get3A_3 = vector.shape_cast %get3A_2 : vector<1x1000x128xf32> to vector<1000x128xf32>
    %get3A_4 = arith.constant 1 : index
    %get3A_5 = arith.constant 0 : index
    %get3A_6 = arith.constant 0 : index
    %get3A_7 = vector.load %arg2[%get3A_4, %get3A_5, %get3A_6] : memref<2x1000x128xf32, #tpu.memory_space<vmem>>, vector<1x1000x128xf32>
    %get3A_8 = vector.shape_cast %get3A_7 : vector<1x1000x128xf32> to vector<1000x128xf32>
    %add3A = arith.addf %get3A_3, %get3A_8 : vector<1000x128xf32>
    %max3A = arith.constant 0.000000e+00 : f32
    %max3A_9 = vector.broadcast %max3A : f32 to vector<1000x128xf32>
    %max3A_10 = arith.maximumf %add3A, %max3A_9 : vector<1000x128xf32>
    %get3A_11 = arith.constant 0 : index
    %get3A_12 = arith.constant 0 : index
    %get3A_13 = arith.constant 0 : index
    %get3A_14 = vector.load %arg3[%get3A_11, %get3A_12, %get3A_13] : memref<1x128x128xf32, #tpu.memory_space<vmem>>, vector<1x128x128xf32>
    %get3A_15 = vector.shape_cast %get3A_14 : vector<1x128x128xf32> to vector<128x128xf32>
    %dot_general3A = arith.constant dense<0.000000e+00> : vector<1000x128xf32>
    %dot_general3A_16 = tpu.matmul %max3A_10, %get3A_15, %dot_general3A {dimension_numbers = #tpu.dot_dimension_numbers<[1], [0], [0], [1], [0, 0, 1, 1], [], []>, transpose_lhs_hint = false} : vector<1000x128xf32>, vector<128x128xf32>, vector<1000x128xf32> -> vector<1000x128xf32>
    %swap3A = arith.constant 0 : index
    %swap3A_17 = arith.constant 0 : index
    %swap3A_18 = arith.constant 0 : index
    %swap3A_19 = vector.load %arg4[%swap3A, %swap3A_17, %swap3A_18] : memref<1x1000x128xf32, #tpu.memory_space<vmem>>, vector<1x1000x128xf32>
    %swap3A_20 = vector.shape_cast %swap3A_19 : vector<1x1000x128xf32> to vector<1000x128xf32>
    %swap3A_21 = vector.shape_cast %dot_general3A_16 : vector<1000x128xf32> to vector<1x1000x128xf32>
    tpu.vector_store %arg4[%swap3A, %swap3A_17, %swap3A_18], %swap3A_21 {strides = array<i32>} : memref<1x1000x128xf32, #tpu.memory_space<vmem>>, vector<1x1000x128xf32>,
    return
  }
  func.func @transform_0(%arg0: i32, %arg1: i32) -> (i32, i32, i32) {
    %c0_i32 = arith.constant 0 : i32
    %c0_i32_0 = arith.constant 0 : i32
    %c0_i32_1 = arith.constant 0 : i32
    return %c0_i32, %arg0, %c0_i32_0 : i32, i32, i32
  }
  func.func @transform_1(%arg0: i32, %arg1: i32) -> (i32, i32, i32) {
    %c0_i32 = arith.constant 0 : i32
    %c0_i32_0 = arith.constant 0 : i32
    %c0_i32_1 = arith.constant 0 : i32
    return %arg1, %c0_i32, %c0_i32_0 : i32, i32, i32
  }
  func.func @transform_2(%arg0: i32, %arg1: i32) -> (i32, i32, i32) {
    %c0_i32 = arith.constant 0 : i32
    %c0_i32_0 = arith.constant 0 : i32
    return %arg1, %arg0, %c0_i32 : i32, i32, i32
  }
}

module attributes {stable_mosaic.version = 14 : i64} {
  func.func @body(%arg0: i32, %arg1: memref<2x1000x128xf32, #tpu.memory_space<vmem>>, %arg2: memref<1000x128xf32, #tpu.memory_space<vmem>>) attributes {dimension_semantics = [#tpu.dimension_semantics<arbitrary>], iteration_bounds = array<i64: 10>, scalar_prefetch = 0 : i64, scratch_operands = 0 : i64, tpu.core_type = #tpu.core_type<tc>, window_params = [{transform_indices = @transform_0, window_bounds = array<i64: 2, 1000, 128>}, {transform_indices = @transform_1, window_bounds = array<i64: 1000, 128>}]} {
    %get3A = arith.constant 0 : index
    %get3A_0 = arith.constant 0 : index
    %get3A_1 = arith.constant 0 : index
    %get3A_2 = vector.load %arg1[%get3A, %get3A_0, %get3A_1] : memref<2x1000x128xf32, #tpu.memory_space<vmem>>, vector<1x1000x128xf32>
    %get3A_3 = vector.shape_cast %get3A_2 : vector<1x1000x128xf32> to vector<1000x128xf32>
    %get3A_4 = arith.constant 1 : index
    %get3A_5 = arith.constant 0 : index
    %get3A_6 = arith.constant 0 : index
    %get3A_7 = vector.load %arg1[%get3A_4, %get3A_5, %get3A_6] : memref<2x1000x128xf32, #tpu.memory_space<vmem>>, vector<1x1000x128xf32>
    %get3A_8 = vector.shape_cast %get3A_7 : vector<1x1000x128xf32> to vector<1000x128xf32>
    %add3A = arith.addf %get3A_3, %get3A_8 : vector<1000x128xf32>
    %reduce_max3A = arith.constant dense<0xFF800000> : vector<1000xf32>
    %reduce_max3A_9 = vector.multi_reduction <maximumf>, %add3A, %reduce_max3A [1] : vector<1000x128xf32> to vector<1000xf32>
    %broadcast_in_dim3A = vector.shape_cast %reduce_max3A_9 : vector<1000xf32> to vector<1000x1xf32>
    %sub3A = vector.broadcast %broadcast_in_dim3A : vector<1000x1xf32> to vector<1000x128xf32>
    %sub3A_10 = arith.subf %add3A, %sub3A : vector<1000x128xf32>
    %exp3A = math.exp %sub3A_10 : vector<1000x128xf32>
    %reduce_sum3A = arith.constant dense<0.000000e+00> : vector<1000xf32>
    %reduce_sum3A_11 = vector.multi_reduction <add>, %exp3A, %reduce_sum3A [1] : vector<1000x128xf32> to vector<1000xf32>
    %broadcast_in_dim3A_12 = vector.shape_cast %reduce_sum3A_11 : vector<1000xf32> to vector<1000x1xf32>
    %div3A = vector.broadcast %broadcast_in_dim3A_12 : vector<1000x1xf32> to vector<1000x128xf32>
    %div3A_13 = arith.divf %exp3A, %div3A : vector<1000x128xf32>
    %swap3A = arith.constant 0 : index
    %swap3A_14 = arith.constant 0 : index
    %swap3A_15 = vector.load %arg2[%swap3A, %swap3A_14] : memref<1000x128xf32, #tpu.memory_space<vmem>>, vector<1000x128xf32>
    tpu.vector_store %arg2[%swap3A, %swap3A_14], %div3A_13 {strides = array<i32>} : memref<1000x128xf32, #tpu.memory_space<vmem>>, vector<1000x128xf32>,
    return
  }
  func.func @transform_0(%arg0: i32) -> (i32, i32, i32) {
    %c0_i32 = arith.constant 0 : i32
    %c0_i32_0 = arith.constant 0 : i32
    %c0_i32_1 = arith.constant 0 : i32
    return %c0_i32, %arg0, %c0_i32_0 : i32, i32, i32
  }
  func.func @transform_1(%arg0: i32) -> (i32, i32) {
    %c0_i32 = arith.constant 0 : i32
    %c0_i32_0 = arith.constant 0 : i32
    return %arg0, %c0_i32 : i32, i32
  }
}

</mosaic_0001>

<sc_bundles>
// kernel: kernel.11.cloned.1.call-start
scs
__scs_entry_jumppad:
0x0: {  	(pc) =	sbr.rel $0x88, $3  }
0x1: {  	(tag) =	ssettag $0x0;
	lr =	simm.s32 $0x1  }
0x2: {  	[smem:$0x3F98] =	sst lr;
	_ =	strace $0xD0000000  }
0x3: {  	_ = 	snop  }
0x4: {  	_ = 	snop  }
0x5: {  	_ = 	snop  }
0x6: {  	_ = 	snop  }
0x7: {  	_ = 	snop  }
__scs_overlays_trampoline_lowered:
0x8: {  	[smem:$0x3FA7] =	sst s0  }
0x9: {  	[smem:$0x3FA8] =	sst s1  }
0xa: {  	[smem:$0x3FA9] =	sst s2  }
0xb: {  	[smem:$0x3FAA] =	sst s3  }
0xc: {  	[smem:$0x3FAB] =	sst s4  }
0xd: {  	[smem:$0x3FAC] =	sst s5  }
0xe: {  	[smem:$0x3FAD] =	sst s6  }
0xf: {  	[smem:$0x3FAE] =	sst s7  }
0x10: {  	[smem:$0x3FAF] =	sst s8  }
0x11: {  	[smem:$0x3FB0] =	sst s9;
	s0 =	simm.s32 @!p0 $0x0  }
0x12: {  	s1 =	sld [smem:$0x3F96];
	s0 =	simm.s32 @p0 $0x1  }
0x13: {  	[smem:$0x3FB1] =	sst s0;
	s0 =	simm.s32 @!p1 $0x0  }
0x14: {  	s2 =	sld [smem:$0x3F95];
	s0 =	simm.s32 @p1 $0x1  }
0x15: {  	[smem:$0x3FB2] =	sst s0;
	s0 =	simm.s32 @!p2 $0x0  }
0x16: {  	s3 =	sld [smem:$0x3FDB];
	s0 =	simm.s32 @p2 $0x1  }
0x17: {  	s4 =	simm.s32 $0x1BF5;
	[smem:$0x3FB4] =	sst s0  }
0x18: {  	s0 =	sld [smem:$0x3F97];
	_ =	swait.ge [sflag:s4], $0x0  }
0x19: {  	s7 =	sld [smem:$0x3F98]  }
0x1a: {  	s8 =	sadd.s32 $0xFFFFE003, lr  }
0x1b: {  	s9 =	sadd.s32 $0xFFFFFEF7, lr;
	s5 =	simm.s32 $0xFFFFFFFF;
	p2 =	slt.u32 s8, $0xFFFFF086  }
0x1c: {  	p1 =	slt.u32 s9, $0xF7A;
	s5 =	simm.s32 @!p2 $0x0  }
0x1d: {  	s5 =	simm.s32 @p1 $0x1;
	p0 =	seq.s32 s7, s2  }
0x1e: {  	s7 =	smul.u32 @!p0 $0xF7A, s2;
	p2 =	seq.s32 @!p0 s5, $0x0  }
0x1f: {  	s9 =	smul.u32 $0xF7A, s1;
	s8 =	simm.s32 @!p0 $0x1BF5;
	p2 =	por !p2, p0  }
0x20: {  	[sflag:s8] =	ssyncset.s32 @!p0 $0xFFFFF086;
	s6 =	sadd.s32 @!p0 s3, s7;
	s7 =	simm.s32 @!p0 $0x108  }
0x21: {  	s3 =	sadd.s32 s3, s9;
	s6 =	sadd.s32 @!p0 $0x88, s6;
	s7 =	simm.s32 @p2 $0x1082  }
0x22: {  	[simem:s7], [sflag:s8] =	dma.local @!p0 [hbm:s6], $0xF7A  }
0x23: {  	s9 =	sor.u32 $0xD0000000, s2;
	s6 =	simm.s32 $0x108;
	_ =	swait.ge @!p0 [sflag:s8], $0x0  }
0x24: {  	s3 =	sadd.s32 $0x88, s3;
	s6 =	simm.s32 @!p1 $0x1082;
	[sflag:s4] =	ssyncset.s32 $0xFFFFF086  }
0x25: {  	[simem:s6], [sflag:s4] =	dma.local [hbm:s3], $0xF7A  }
0x26: {  	[smem:$0x3F98] =	sst s1;
	(tag) =	ssettag s2;
	_ =	strace s9  }
0x27: {  	s1 =	sld [smem:$0x3FA8]  }
0x28: {  	s2 =	sld [smem:$0x3FA9]  }
0x29: {  	s4 =	sld [smem:$0x3FAB]  }
0x2a: {  	p0 =	seq.s32 s5, $0x0;
	s5 =	sld [smem:$0x3FAC]  }
0x2b: {  	s6 =	sld [smem:$0x3FAD]  }
0x2c: {  	s7 =	sld [smem:$0x3FAE]  }
0x2d: {  	s3 =	simm.s32 $0x108;
	s8 =	sld [smem:$0x3FAF]  }
0x2e: {  	s3 =	simm.s32 @!p0 $0x1082;
	s9 =	sld [smem:$0x3FB0]  }
0x2f: {  	lr =	sadd.s32 s0, s3;
	s0 =	sld [smem:$0x3FA7]  }
0x30: {  	s3 =	sld [smem:$0x3FAA]  }
0x31: {  	[smem:$0x3FB3] =	sst s10  }
0x32: {  	s10 =	sld [smem:$0x3FB1];
	_ =	sdelay $0x3  }
0x33: {  	p0 =	seq.s32 s10, $0x1;
	s10 =	sld [smem:$0x3FB3];
	_ =	sdelay $0x3  }
0x34: {  	[smem:$0x3FB3] =	sst s10  }
0x35: {  	s10 =	sld [smem:$0x3FB2];
	_ =	sdelay $0x3  }
0x36: {  	p1 =	seq.s32 s10, $0x1;
	s10 =	sld [smem:$0x3FB3];
	_ =	sdelay $0x3  }
0x37: {  	[smem:$0x3FB3] =	sst s10  }
0x38: {  	s10 =	sld [smem:$0x3FB4]  }
0x39: {  	_ = 	snop;
	(pc) =	sbr.ind lr, $3  }
0x3a: {  	_ = 	snop  }
0x3b: {  	_ = 	snop  }
0x3c: {  	p2 =	seq.s32 s10, $0x1;
	s10 =	sld [smem:$0x3FB3]  }
0x3d: {  	_ =	shalt  }
0x3e: {  	_ =	shalt  }
0x3f: {  	_ =	shalt  }
0x40: {  	_ =	shalt  }
0x41: {  	_ =	shalt  }
0x42: {  	_ =	shalt  }
0x43: {  	_ =	shalt  }
0x44: {  	_ =	shalt  }
0x45: {  	_ =	shalt  }
0x46: {  	_ =	shalt  }
0x47: {  	_ =	shalt  }
0x48: {  	_ =	shalt  }
0x49: {  	_ =	shalt  }
0x4a: {  	_ =	shalt  }
0x4b: {  	_ =	shalt  }
0x4c: {  	_ =	shalt  }
0x4d: {  	_ =	shalt  }
0x4e: {  	_ =	shalt  }
0x4f: {  	_ =	shalt  }
0x50: {  	_ =	shalt  }
0x51: {  	_ =	shalt  }
0x52: {  	_ =	shalt  }
0x53: {  	_ =	shalt  }
0x54: {  	_ =	shalt  }
0x55: {  	_ =	shalt  }
0x56: {  	_ =	shalt  }
0x57: {  	_ =	shalt  }
0x58: {  	_ =	shalt  }
0x59: {  	_ =	shalt  }
0x5a: {  	_ =	shalt  }
0x5b: {  	_ =	shalt  }
0x5c: {  	_ =	shalt  }
0x5d: {  	_ =	shalt  }
0x5e: {  	_ =	shalt  }
0x5f: {  	_ =	shalt  }
0x60: {  	_ =	shalt  }
0x61: {  	_ =	shalt  }
0x62: {  	_ =	shalt  }
0x63: {  	_ =	shalt  }
0x64: {  	_ =	shalt  }
0x65: {  	_ =	shalt  }
0x66: {  	_ =	shalt  }
0x67: {  	_ =	shalt  }
0x68: {  	_ =	shalt  }
0x69: {  	_ =	shalt  }
0x6a: {  	_ =	shalt  }
0x6b: {  	_ =	shalt  }
0x6c: {  	_ =	shalt  }
0x6d: {  	_ =	shalt  }
0x6e: {  	_ =	shalt  }
0x6f: {  	_ =	shalt  }
0x70: {  	_ =	shalt  }
0x71: {  	_ =	shalt  }
0x72: {  	_ =	shalt  }
0x73: {  	_ =	shalt  }
0x74: {  	_ =	shalt  }
0x75: {  	_ =	shalt  }
0x76: {  	_ =	shalt  }
0x77: {  	_ =	shalt  }
0x78: {  	_ =	shalt  }
0x79: {  	_ =	shalt  }
0x7a: {  	_ =	shalt  }
0x7b: {  	_ =	shalt  }
0x7c: {  	_ =	shalt  }
0x7d: {  	_ =	shalt  }
0x7e: {  	_ =	shalt  }
0x7f: {  	_ =	shalt  }
0x80: {  	_ =	shalt  }
0x81: {  	_ =	shalt  }
0x82: {  	_ =	shalt  }
0x83: {  	_ =	shalt  }
0x84: {  	_ =	shalt  }
0x85: {  	_ =	shalt  }
0x86: {  	_ =	shalt  }
0x87: {  	_ =	shalt  }
.Lfunc_end0:
.L_simem_size_0:
called_computation_lowered:
.L_overlay_start_0:
0x88: {  	s2 =	sld [smem:$0x3FD9]  }
0x89: {  	s3 =	sld [smem:$0x3FFE];
	_ =	sdelay $0x1  }
0x8a: {  	s1 =	srdreg.scid  }
0x8b: {  	s0 =	sand.u32 $0x1, s1  }
0x8c: {  	s17 =	sshll.u32 s0, $0xA;
	s2 =	sadd.s32 s3, s2  }
0x8d: {  	s2 =	sadd.s32 s2, s17  }
0x8e: {  	[smem:$0x3FBF] =	sst s2  }
0x8f: {  	_ = 	snop  }
0x90: {  	s2 =	sld [smem:$0x3FD0];
	(tm) =	ssettm $0x1  }
0x91: {  	s18 =	sld [smem:$0x3FFB];
	_ =	sdelay $0x3  }
0x92: {  	_ =	strace s18  }
0x93: {  	s3 =	sld [smem:$0x3FFC];
	_ =	sdelay $0x3  }
0x94: {  	_ =	strace s3  }
0x95: {  	s3 =	sld [smem:$0x3FFD];
	_ =	sdelay $0x3  }
0x96: {  	_ =	strace s3  }
0x97: {  	_ =	strace $0x8FFFFFFF  }
0x98: {  	s19 =	sld [smem:$0x3FDB];
	_ =	sdelay $0x1  }
0x99: {  	s4 =	simm.s32 $_scs_section_size  }
0x9a: {  	s5 =	simm.s32 $_size__tile_overlayer_lowered;
	s6 =	simm.s32 $_tile_overlayer_lowered  }
0x9b: {  	s22 =	simm.s32 $0x1BFF;
	s21 =	sshll.u32 s6, $0x1;
	s3 =	sadd.s32 s4, s19  }
0x9c: {  	s7 =	simm.s32 $0x0;
	s20 =	sshll.u32 s5, $0x1;
	s5 =	sadd.s32 s21, s3  }
0x9d: {  	[timem:s7], [sflag:s22] =	dma.local [hbm:s5], s20  }
0x9e: {  	_ =	swait.ge [sflag:s22], s20  }
0x9f: {  	s4 =	ssub.s32 $0x0, s20;
	[sflag:s22] =	ssyncset.done $0x0  }
0xa0: {  	[sflag:s22] =	ssyncadd.s32 s4;
	_ =	sdelay $0x1  }
0xa1: {  	s23 =	simm.s32 $0x1B8B  }
0xa2: {  	_ =	swait.ge [sflag:s23], $0x1  }
0xa3: {  	[sflag:s23] =	ssyncset.done $0x0  }
0xa4: {  	s25 =	simm.s32 $0x1B8E;
	s24 =	sld [smem:$0x3FFE];
	[sflag:s23] =	ssyncadd.s32 $0xFFFFFFFF  }
0xa5: {  	s26 =	simm.s32 $execute0_lowered;
	[smem:$0x3FD2] =	sst s25  }
0xa6: {  	s5 =	sshll.u32 s26, $0x1;
	_ =	strace $0x80000046;
	[dreg:$0x1] =	wrdreg $0xFFFFFFFF  }
0xa7: {  	s28 =	simm.s32 $_size_execute0_lowered;
	s3 =	sadd.s32 s3, s5;
	[dreg:$0x0] =	wrdreg $0x0  }
0xa8: {  	s5 =	sshll.u32 s28, $0x1;
	[dreg:$0x2] =	wrdreg s3  }
0xa9: {  	[dreg:$0x3] =	wrdreg s5  }
0xaa: {  	[dreg:$0x4] =	wrdreg $0xC0  }
0xab: {  	_ =	task [dreg:s7], $0x5FFFF  }
0xac: {  	[dreg:$0x1] =	wrdreg $0xFFFFFFFF  }
0xad: {  	[dreg:$0x0] =	wrdreg $0x60  }
0xae: {  	[dreg:$0x2] =	wrdreg s24  }
0xaf: {  	[dreg:$0x3] =	wrdreg s2  }
0xb0: {  	[dreg:$0x4] =	wrdreg $0x81000  }
0xb1: {  	[dreg:$0x5] =	wrdreg $0x9  }
0xb2: {  	_ =	task.clear_ibuf [dreg:s7], $0x6FFFF;
	_ =	strace $0x90000046  }
0xb3: {  	s29 =	simm.s32 $0x9;
	_ =	strace $0x80000048  }
0xb4: {  	_ =	swait.ge [sflag:s29], $0x1  }
0xb5: {  	[sflag:s29] =	ssyncadd.s32 $0xFFFFFFFF  }
0xb6: {  	_ =	strace $0x90000048  }
0xb7: {  	_ =	sfence  }
0xb8: {  	s30 =	sld [smem:$0x0];
	_ =	sdelay $0x2  }
0xb9: {  	s31 =	sshll.u32 s1, $0xD;
	s1 =	sshrl.u32 s1, $0x2  }
0xba: {  	s3 =	sand.u32 $0x4000, s31;
	s1 =	sadd.s32 s1, s30  }
0xbb: {  	s0 =	sor.u32 s3, s0;
	s1 =	sshll.u32 s1, $0x11  }
0xbc: {  	s0 =	sor.u32 s1, s0  }
0xbd: {  	s0 =	sadd.s32 $0x8F2B, s0  }
0xbe: {  	[sflag:s0] =	ssyncadd.remote.s32 $0x1  }
0xbf: {  	_ =	sfence.sel $0xFFFF  }
0xc0: {  	[dreg:$0x0] =	wrdreg $0xFFFFFFFF;
	(pc) =	sbr.abs _section_cstart, $3  }
0xc1: {  	[dreg:$0x1] =	wrdreg $0xFFFFFFFF  }
0xc2: {  	_ =	task.clear_ibuf [dreg:s7], $0x2FFFF;
	_ =	strace $0x9FFFFFFF  }
0xc3: {  	(tm) =	ssettm $0x7FFFFFFF  }
tec
execute0_lowered:
.L_overlay_start_1:
0x0: {  	(tag) =	ssettag $0x1  }
0x1: {  	s0 =	srdreg.scid  }
0x2: {  	s1 =	rddreg [dreg:$0x0];
	s24 =	stileid.u32  }
0x3: {  	s2 =	rddreg [dreg:$0x1];
	s0 =	sand.u32 $0x1, s0;
	s9 =	smul.u32 $0x2800, s24  }
0x4: {  	s3 =	rddreg [dreg:$0x2];
	s8 =	sor.u32 $0x10, s24;
	s7 =	smul.u32 $0x138800, s0  }
0x5: {  	s28 =	simm.s32 $0x2;
	s18 =	sor.u32 $0x20, s24;
	s10 =	smul.u32 $0x2800, s8  }
0x6: {  	s29 =	simm.s32 $0x80;
	s19 =	sor.u32 $0x30, s24;
	s11 =	smul.u32 $0x2800, s18  }
0x7: {  	s30 =	simm.s32 $0x100;
	s20 =	sor.u32 $0x40, s24;
	s12 =	smul.u32 $0x2800, s19  }
0x8: {  	s31 =	simm.s32 $0x1;
	s21 =	sor.u32 $0x50, s24;
	s15 =	smul.u32 $0x2800, s20  }
0x9: {  	s6 =	sadd.s32 $0xB000, s1;
	s22 =	sor.u32 $0x60, s24;
	s25 =	smul.u32 $0x2800, s21  }
0xa: {  	s14 =	sadd.s32 $0x76C000, s1;
	s23 =	sor.u32 $0x70, s24;
	s16 =	smul.u32 $0x2800, s22  }
0xb: {  	s4 =	sshll.u32 s0, $0x4;
	s0 =	ssub.s32 $0x2, s0;
	s17 =	smul.u32 $0x2800, s23  }
0xc: {  	p0 =	sgt.u32 s23, $0x7C;
	s5 =	sor.u32 s24, s4;
	s24 =	smul.u32 $0xA000, s24  }
0xd: {  	s4 =	simm.s32 $0x0;
	s13 =	sshrl.u32 s0, $0x1;
	s5 =	smul.u32 $0x2780, s5  }
0xe: {  	[smem:$0x7FF] =	sst s4;
	s0 =	ssub.s32 s0, s13;
	s9 =	sadd.s32 s7, s9  }
0xf: {  	s10 =	sadd.s32 s7, s10;
	s11 =	sadd.s32 s7, s11;
	s12 =	sadd.s32 s7, s12  }
0x10: {  	s15 =	sadd.s32 s7, s15;
	s13 =	sadd.s32 s7, s25;
	s16 =	sadd.s32 s7, s16  }
0x11: {  	s7 =	sadd.s32 s7, s17;
	s25 =	smul.u32 $0xA000, s8;
	_ =	strace $0x80000047  }
0x12: {  	s9 =	sshrl.u32 s9, $0x3;
	s26 =	sshrl.u32 s10, $0x3;
	s10 =	sshrl.u32 s11, $0x3  }
0x13: {  	s11 =	sshrl.u32 s12, $0x3;
	s12 =	sshrl.u32 s15, $0x3;
	s15 =	sshrl.u32 s13, $0x3  }
0x14: {  	s17 =	sshrl.u32 s16, $0x3;
	s7 =	sshrl.u32 s7, $0x3;
	s16 =	sadd.s32 $0x27C000, s1  }
0x15: {  	s8 =	sshrl.u32 s24, $0x2;
	s24 =	smul.u32 $0xA000, s20;
	s9 =	sadd.s32 s14, s9  }
0x16: {  	s13 =	sadd.s32 s14, s17;
	s17 =	smax.u32 s0, $0x1;
	[dreg:$0x4] =	wrdreg s9  }
0x17: {  	s9 =	sadd.s32 s14, s26;
	s26 =	smul.u32 $0xA000, s18;
	s18 =	sadd.s32 s8, s3  }
0x18: {  	[dreg:$0x5] =	wrdreg s9;
	s9 =	sadd.s32 s14, s10;
	s10 =	sadd.s32 s14, s11  }
0x19: {  	s11 =	sadd.s32 s14, s12;
	s12 =	sadd.s32 s14, s15;
	s14 =	sadd.s32 s14, s7  }
0x1a: {  	s15 =	sadd.s32 $0x1200, s1;
	[dreg:$0x6] =	wrdreg s9;
	s9 =	smul.u32 $0xA000, s19  }
0x1b: {  	s7 =	sshrl.u32 s25, $0x2;
	s0 =	sshrl.u32 s26, $0x2;
	s26 =	smul.u32 $0xA000, s21  }
0x1c: {  	s1 =	sshrl.u32 s24, $0x2;
	s19 =	sadd.s32 s7, s3;
	s7 =	smul.u32 $0xA000, s22  }
0x1d: {  	s22 =	sadd.s32 s1, s3;
	s25 =	sshrl.u32 s9, $0x2;
	s9 =	smul.u32 $0xA000, s23  }
0x1e: {  	s20 =	sadd.s32 s0, s3;
	s0 =	sshrl.u32 s7, $0x2;
	s21 =	sadd.s32 s25, s3  }
0x1f: {  	s25 =	sshrl.u32 s26, $0x2;
	s24 =	sadd.s32 s0, s3;
	s26 =	sshrl.u32 s9, $0x2  }
0x20: {  	v0 =	vimm.f32 $0.0e+00;
	s23 =	sadd.s32 s25, s3;
	s25 =	sadd.s32 s26, s3;
	s26 =	simm.s32 $0x4100  }
.LBB2_1:
0x21: {  	s0 =	simm.s32 $0x0;
	s1 =	simm.s32 $0x200  }
.LBB2_2:
0x22: {  	p1 =	sne.s32 s1, $0x9E00;
	[tilespmem:s0+$0x4170] =	vst v0  }
0x23: {  	[tilespmem:s0+$0x4100] =	vst v0  }
0x24: {  	[tilespmem:s0+$0x4110] =	vst v0  }
.Ltmp0:
0x25: {  	[tilespmem:s0+$0x4120] =	vst v0;
	(pc) =	sbr.rel @p1 .LBB2_2-.Ltmp0, $4  }
0x26: {  	[tilespmem:s0+$0x4130] =	vst v0  }
0x27: {  	[tilespmem:s0+$0x4140] =	vst v0  }
0x28: {  	[tilespmem:s0+$0x4150] =	vst v0  }
0x29: {  	[tilespmem:s0+$0x4160] =	vst v0;
	s0 =	sshra.s32 s1, $0x2;
	s1 =	sadd.s32 $0x200, s1  }
0x2a: {  	[tilespmem:s0+$0x4170] =	vst v0  }
0x2b: {  	[tilespmem:s0+$0x4100] =	vst v0  }
0x2c: {  	[tilespmem:s0+$0x4110] =	vst v0  }
0x2d: {  	[tilespmem:s0+$0x4120] =	vst v0  }
0x2e: {  	[tilespmem:s0+$0x4130] =	vst v0  }
0x2f: {  	[tilespmem:s0+$0x4140] =	vst v0  }
0x30: {  	[tilespmem:s0+$0x4150] =	vst v0  }
0x31: {  	[tilespmem:s0+$0x4160] =	vst v0  }
0x32: {  	[spmem:s18] =	stream.linear.scatter [tilespmem:s26], [sflag:$0x2], $0x2800, $0x38;
	[tilespmem:$0x1B980] =	vst v63  }
0x33: {  	_ =	swait.ge [sflag:s28], $0x2800  }
0x34: {  	[sflag:s28] =	ssyncset.done $0x0  }
0x35: {  	[sflag:s28] =	ssyncadd.s32 $0xFFFFD800  }
0x36: {  	[spmem:s19] =	stream.linear.scatter [tilespmem:s26], [sflag:$0x2], $0x2800, $0x38;
	[tilespmem:$0x1B980] =	vst v63  }
0x37: {  	_ =	swait.ge [sflag:s28], $0x2800  }
0x38: {  	[sflag:s28] =	ssyncset.done $0x0  }
0x39: {  	[sflag:s28] =	ssyncadd.s32 $0xFFFFD800  }
0x3a: {  	[spmem:s20] =	stream.linear.scatter [tilespmem:s26], [sflag:$0x2], $0x2800, $0x38;
	[tilespmem:$0x1B980] =	vst v63  }
0x3b: {  	_ =	swait.ge [sflag:s28], $0x2800  }
0x3c: {  	[sflag:s28] =	ssyncset.done $0x0  }
0x3d: {  	[sflag:s28] =	ssyncadd.s32 $0xFFFFD800  }
0x3e: {  	[spmem:s21] =	stream.linear.scatter [tilespmem:s26], [sflag:$0x2], $0x2800, $0x38;
	[tilespmem:$0x1B980] =	vst v63  }
0x3f: {  	_ =	swait.ge [sflag:s28], $0x2800  }
0x40: {  	[sflag:s28] =	ssyncset.done $0x0  }
0x41: {  	[sflag:s28] =	ssyncadd.s32 $0xFFFFD800  }
0x42: {  	[spmem:s22] =	stream.linear.scatter [tilespmem:s26], [sflag:$0x2], $0x2800, $0x38;
	[tilespmem:$0x1B980] =	vst v63  }
0x43: {  	_ =	swait.ge [sflag:s28], $0x2800  }
0x44: {  	[sflag:s28] =	ssyncset.done $0x0  }
0x45: {  	[sflag:s28] =	ssyncadd.s32 $0xFFFFD800  }
0x46: {  	[spmem:s23] =	stream.linear.scatter [tilespmem:s26], [sflag:$0x2], $0x2800, $0x38;
	[tilespmem:$0x1B980] =	vst v63  }
0x47: {  	_ =	swait.ge [sflag:s28], $0x2800  }
0x48: {  	[sflag:s28] =	ssyncset.done $0x0  }
0x49: {  	[sflag:s28] =	ssyncadd.s32 $0xFFFFD800  }
0x4a: {  	[spmem:s24] =	stream.linear.scatter [tilespmem:s26], [sflag:$0x2], $0x2800, $0x38;
	[tilespmem:$0x1B980] =	vst v63  }
0x4b: {  	_ =	swait.ge [sflag:s28], $0x2800  }
0x4c: {  	[sflag:s28] =	ssyncset.done $0x0  }
0x4d: {  	s0 =	simm.s32 @!p0 $0x4100;
	[sflag:s28] =	ssyncadd.s32 $0xFFFFD800  }
0x4e: {  	[spmem:s25] =	stream.linear.scatter @!p0 [tilespmem:s0], [sflag:$0x2], $0x2800, $0x38;
	[tilespmem:$0x1B980] =	vst v63  }
0x4f: {  	s0 =	simm.s32 @!p0 $0x2  }
0x50: {  	_ =	swait.ge @!p0 [sflag:s0], $0x2800  }
0x51: {  	[sflag:s0] =	ssyncset.done @!p0 $0x0  }
0x52: {  	[sflag:s0] =	ssyncadd.s32 @!p0 $0xFFFFD800  }
0x53: {  	s1 =	simm.s32 $0x0;
	s0 =	simm.s32 $0x0;
	[bflag:$0x0] =	sbarrier.arrive $0xFFFF  }
.LBB2_4:
0x54: {  	s7 =	sshll.u32 s0, $0x7  }
0x55: {  	s7 =	sadd.s32 s5, s7  }
0x56: {  	s8 =	sshrl.u32 s7, $0x3  }
0x57: {  	s9 =	sadd.s32 s2, s8  }
0x58: {  	[tilespmem:s1], [sflag:$0x2] =	stream.linear.gather [hbm4b:s9+s1], $0x80, $0x38;
	[tilespmem:$0x1B980] =	vst v63  }
0x59: {  	_ =	swait.ge [sflag:s28], $0x80  }
0x5a: {  	[sflag:s28] =	ssyncset.done $0x0  }
0x5b: {  	s8 =	sadd.s32 s15, s8;
	[sflag:s28] =	ssyncadd.s32 $0xFFFFFF80  }
0x5c: {  	[tilespmem:s29], [sflag:$0x2] =	stream.linear.gather [hbm4b:s8+s1], $0x80, $0x38;
	[tilespmem:$0x1B980] =	vst v63  }
0x5d: {  	_ =	swait.ge [sflag:s28], $0x80  }
0x5e: {  	s7 =	sshll.u32 s7, $0x4;
	[sflag:s28] =	ssyncset.done $0x0  }
0x5f: {  	s7 =	sadd.s32 s16, s7;
	[sflag:s28] =	ssyncadd.s32 $0xFFFFFF80  }
0x60: {  	[tilespmem:s30], [sflag:$0x2] =	stream.linear.gather [hbm4b:s7+s1], $0x4000, $0x38;
	[tilespmem:$0x1B980] =	vst v63  }
0x61: {  	_ =	swait.ge [sflag:s28], $0x4000  }
0x62: {  	[sflag:s28] =	ssyncset.done $0x0  }
0x63: {  	[sflag:s28] =	ssyncadd.s32 $0xFFFFC000  }
0x64: {  	[tilespmem:s26], [sflag:$0x1] =	stream.indirect.gather [hbm4b:s6+s29], $0x80, s1, s29, $0xb8;
	[tilespmem:$0x1B980] =	vst v63  }
0x65: {  	_ =	swait.ge [sflag:s31], $0x4000  }
0x66: {  	[sflag:s31] =	ssyncset.done $0x0  }
0x67: {  	s7 =	simm.s32 $0x0;
	[sflag:s31] =	ssyncadd.s32 $0xFFFFC000  }
0x68: {  	v1 =	vld [tilespmem:s7+$0x100]  }
0x69: {  	v5 =	vld [tilespmem:s7+$0x4100]  }
0x6a: {  	v7 =	vld [tilespmem:s7+$0x4110]  }
0x6b: {  	v6 =	vld [tilespmem:s7+$0x4120]  }
0x6c: {  	v4 =	vld [tilespmem:s7+$0x4130]  }
0x6d: {  	v2 =	vld [tilespmem:s7+$0x4140]  }
0x6e: {  	v3 =	vld [tilespmem:s7+$0x4150];
	v8 =	vmul.f32 v5, v1  }
0x6f: {  	s8 =	simm.s32 $0x200;
	v7 =	vmul.f32 v7, v1;
	v5 =	vld [tilespmem:s7+$0x4160]  }
.LBB2_5:
0x70: {  	s9 =	sshra.s32 s8, $0x2;
	p1 =	sne.s32 s8, $0xFE00;
	[tilespmem:s7+$0x4100] =	vst v8;
	v6 =	vmul.f32 v6, v1;
	v8 =	vld [tilespmem:s7+$0x4170]  }
0x71: {  	v9 =	vld [tilespmem:s9+$0x100];
	[tilespmem:s7+$0x4110] =	vst v7;
	v4 =	vmul.f32 v4, v1  }
0x72: {  	v7 =	vld [tilespmem:s9+$0x4100];
	[tilespmem:s7+$0x4120] =	vst v6;
	v2 =	vmul.f32 v2, v1  }
0x73: {  	v10 =	vld [tilespmem:s9+$0x4110];
	[tilespmem:s7+$0x4130] =	vst v4;
	v3 =	vmul.f32 v3, v1  }
.Ltmp1:
0x74: {  	v6 =	vld [tilespmem:s9+$0x4120];
	[tilespmem:s7+$0x4140] =	vst v2;
	v5 =	vmul.f32 v5, v1;
	(pc) =	sbr.rel @p1 .LBB2_5-.Ltmp1, $4  }
0x75: {  	v4 =	vld [tilespmem:s9+$0x4130];
	[tilespmem:s7+$0x4150] =	vst v3;
	v11 =	vmul.f32 v8, v1  }
0x76: {  	v2 =	vld [tilespmem:s9+$0x4140];
	[tilespmem:s7+$0x4160] =	vst v5;
	v1 =	vmov v9  }
0x77: {  	v8 =	vmul.f32 v7, v1;
	v3 =	vld [tilespmem:s9+$0x4150];
	[tilespmem:s7+$0x4170] =	vst v11;
	s7 =	smov.u32 s9  }
0x78: {  	s8 =	sadd.s32 $0x200, s8;
	v7 =	vmul.f32 v10, v1;
	v5 =	vld [tilespmem:s7+$0x4160]  }
0x79: {  	[tilespmem:s7+$0x4100] =	vst v8;
	v6 =	vmul.f32 v6, v1;
	v63 =	vld [tilespmem:s7+$0x4170]  }
0x7a: {  	[tilespmem:s7+$0x4110] =	vst v7;
	v4 =	vmul.f32 v4, v1  }
0x7b: {  	[tilespmem:s7+$0x4120] =	vst v6;
	v2 =	vmul.f32 v2, v1  }
0x7c: {  	[tilespmem:s7+$0x4130] =	vst v4;
	v3 =	vmul.f32 v3, v1  }
0x7d: {  	[tilespmem:s7+$0x4140] =	vst v2;
	v2 =	vmul.f32 v5, v1  }
0x7e: {  	s0 =	sadd.s32 $0x1, s0;
	[tilespmem:s7+$0x4150] =	vst v3;
	v1 =	vmul.f32 v63, v1  }
0x7f: {  	p1 =	sne.s32 s0, $0x4F;
	[tilespmem:s7+$0x4160] =	vst v2  }
.Ltmp2:
0x80: {  	[tilespmem:s7+$0x4170] =	vst v1;
	(pc) =	sbr.rel @p1 .LBB2_4-.Ltmp2, $4  }
0x81: {  	[spmem:s3] =	stream.indirect.scatter.add.f32 [tilespmem:s26], [sflag:$0x2], $0x80, s29, s29, $0xb8;
	[tilespmem:$0x1B980] =	vst v63  }
0x82: {  	_ =	swait.ge [sflag:s28], $0x4000  }
0x83: {  	[sflag:s28] =	ssyncset.done $0x0  }
0x84: {  	[sflag:s28] =	ssyncadd.s32 $0xFFFFC000  }
0x85: {  	s0 =	stileid.u32  }
0x86: {  	[bflag:$0x0] =	sbarrier.arrive $0xFFFF;
	s0 =	sshll.u32 s0, $0x6  }
0x87: {  	s1 =	sshrl.u32 s18, $0x3;
	s7 =	rddreg [dreg:$0x4];
	s0 =	sor.u32 $0x1C02, s0  }
0x88: {  	[hbm:s7], [sflag:s0] =	dma.local [spmem:s1], $0x500  }
0x89: {  	_ =	swait.ge [sflag:s28], $0x500  }
0x8a: {  	[sflag:s28] =	ssyncset.done $0x0  }
0x8b: {  	s8 =	sshrl.u32 s19, $0x3;
	s9 =	rddreg [dreg:$0x5];
	[sflag:s28] =	ssyncadd.s32 $0xFFFFFB00  }
0x8c: {  	[hbm:s9], [sflag:s0] =	dma.local [spmem:s8], $0x500  }
0x8d: {  	_ =	swait.ge [sflag:s28], $0x500  }
0x8e: {  	[sflag:s28] =	ssyncset.done $0x0  }
0x8f: {  	s7 =	sshrl.u32 s20, $0x3;
	s8 =	rddreg [dreg:$0x6];
	[sflag:s28] =	ssyncadd.s32 $0xFFFFFB00  }
0x90: {  	[hbm:s8], [sflag:s0] =	dma.local [spmem:s7], $0x500  }
0x91: {  	_ =	swait.ge [sflag:s28], $0x500  }
0x92: {  	[sflag:s28] =	ssyncset.done $0x0  }
0x93: {  	s9 =	sshrl.u32 s21, $0x3;
	[sflag:s28] =	ssyncadd.s32 $0xFFFFFB00  }
0x94: {  	[hbm:s10], [sflag:s0] =	dma.local [spmem:s9], $0x500  }
0x95: {  	_ =	swait.ge [sflag:s28], $0x500  }
0x96: {  	[sflag:s28] =	ssyncset.done $0x0  }
0x97: {  	s7 =	sshrl.u32 s22, $0x3;
	[sflag:s28] =	ssyncadd.s32 $0xFFFFFB00  }
0x98: {  	[hbm:s11], [sflag:s0] =	dma.local [spmem:s7], $0x500  }
0x99: {  	_ =	swait.ge [sflag:s28], $0x500  }
0x9a: {  	[sflag:s28] =	ssyncset.done $0x0  }
0x9b: {  	s8 =	sshrl.u32 s23, $0x3;
	[sflag:s28] =	ssyncadd.s32 $0xFFFFFB00  }
0x9c: {  	[hbm:s12], [sflag:s0] =	dma.local [spmem:s8], $0x500  }
0x9d: {  	_ =	swait.ge [sflag:s28], $0x500  }
0x9e: {  	[sflag:s28] =	ssyncset.done $0x0  }
0x9f: {  	s9 =	sshrl.u32 s24, $0x3;
	[sflag:s28] =	ssyncadd.s32 $0xFFFFFB00  }
0xa0: {  	[hbm:s13], [sflag:s0] =	dma.local [spmem:s9], $0x500  }
0xa1: {  	_ =	swait.ge [sflag:s28], $0x500  }
0xa2: {  	s4 =	sadd.s32 $0x1, s4;
	[sflag:s28] =	ssyncset.done $0x0  }
0xa3: {  	p1 =	sne.s32 s4, s17;
	s1 =	sshrl.u32 @!p0 s25, $0x3;
	[sflag:s28] =	ssyncadd.s32 $0xFFFFFB00  }
0xa4: {  	[hbm:s14], [sflag:s0] =	dma.local @!p0 [spmem:s1], $0x500  }
.Ltmp3:
0xa5: {  	_ = 	snop;
	(pc) =	sbr.rel @p1 .LBB2_1-.Ltmp3, $4  }
0xa6: {  	s0 =	simm.s32 @!p0 $0x2  }
0xa7: {  	_ =	swait.ge @!p0 [sflag:s0], $0x500  }
0xa8: {  	[sflag:s0] =	ssyncset.done @!p0 $0x0  }
0xa9: {  	[sflag:s0] =	ssyncadd.s32 @!p0 $0xFFFFFB00  }
0xaa: {  	_ =	sfence.sel $0x180000  }
0xab: {  	[bflag:$0x0] =	sbarrier.arrive $0xFFFF  }
0xac: {  	_ =	strace $0x90000047  }
0xad: {  	s0 =	stileid.u32;
	[bflag:$0x2] =	sbarrier.arrive $0xFFFF  }
0xae: {  	p0 =	sne.s32 s0, $0x0;
	s0 =	rddreg [dreg:$0x3]  }
0xaf: {  	s0 =	sadd.s32 @!p0 $0x100000, s0  }
0xb0: {  	[sflag:s0] =	ssyncadd.tile.s32 @!p0 $0x1;
	_ =	shalt  }
.Lfunc_end2:
_tile_overlayer_lowered:
.L_overlay_start_2:
0xb1: {  	(tag) =	ssettag $0x2  }
0xb2: {  	s0 =	rddreg [dreg:$0x0];
	s2 =	stileid.u32  }
0xb3: {  	s1 =	rddreg [dreg:$0x1];
	p0 =	sne.s32 s2, $0x0  }
0xb4: {  	s3 =	rddreg [dreg:$0x2];
	[bflag:$0x3] =	sbarrier.arrive $0xFFFF;
	s2 =	simm.s32 @!p0 $0x1C02  }
0xb5: {  	[timem:s3], [sflag:s2] =	dma.local @!p0 [hbm:s0], s1  }
0xb6: {  	s0 =	simm.s32 @!p0 $0x2  }
0xb7: {  	_ =	swait.ge @!p0 [sflag:s0], s1  }
0xb8: {  	s1 =	ssub.s32 @!p0 $0x0, s1;
	[sflag:s0] =	ssyncset.done @!p0 $0x0  }
0xb9: {  	[sflag:s0] =	ssyncadd.s32 @!p0 s1  }
0xba: {  	[bflag:$0x3] =	sbarrier.arrive $0xFFFF  }
0xbb: {  	_ =	shalt  }

// kernel: kernel.14.cloned.1.call-start
scs
__scs_entry_jumppad:
0x0: {  	(pc) =	sbr.rel $0x88, $3  }
0x1: {  	(tag) =	ssettag $0x0;
	lr =	simm.s32 $0x1  }
0x2: {  	[smem:$0x3F98] =	sst lr;
	_ =	strace $0xD0000000  }
0x3: {  	_ = 	snop  }
0x4: {  	_ = 	snop  }
0x5: {  	_ = 	snop  }
0x6: {  	_ = 	snop  }
0x7: {  	_ = 	snop  }
__scs_overlays_trampoline_lowered:
0x8: {  	[smem:$0x3FA7] =	sst s0  }
0x9: {  	[smem:$0x3FA8] =	sst s1  }
0xa: {  	[smem:$0x3FA9] =	sst s2  }
0xb: {  	[smem:$0x3FAA] =	sst s3  }
0xc: {  	[smem:$0x3FAB] =	sst s4  }
0xd: {  	[smem:$0x3FAC] =	sst s5  }
0xe: {  	[smem:$0x3FAD] =	sst s6  }
0xf: {  	[smem:$0x3FAE] =	sst s7  }
0x10: {  	[smem:$0x3FAF] =	sst s8  }
0x11: {  	[smem:$0x3FB0] =	sst s9;
	s0 =	simm.s32 @!p0 $0x0  }
0x12: {  	s1 =	sld [smem:$0x3F96];
	s0 =	simm.s32 @p0 $0x1  }
0x13: {  	[smem:$0x3FB1] =	sst s0;
	s0 =	simm.s32 @!p1 $0x0  }
0x14: {  	s2 =	sld [smem:$0x3F95];
	s0 =	simm.s32 @p1 $0x1  }
0x15: {  	[smem:$0x3FB2] =	sst s0;
	s0 =	simm.s32 @!p2 $0x0  }
0x16: {  	s3 =	sld [smem:$0x3FDB];
	s0 =	simm.s32 @p2 $0x1  }
0x17: {  	s4 =	simm.s32 $0x1BF5;
	[smem:$0x3FB4] =	sst s0  }
0x18: {  	s0 =	sld [smem:$0x3F97];
	_ =	swait.ge [sflag:s4], $0x0  }
0x19: {  	s7 =	sld [smem:$0x3F98]  }
0x1a: {  	s8 =	sadd.s32 $0xFFFFE003, lr  }
0x1b: {  	s9 =	sadd.s32 $0xFFFFFEF7, lr;
	s5 =	simm.s32 $0xFFFFFFFF;
	p2 =	slt.u32 s8, $0xFFFFF086  }
0x1c: {  	p1 =	slt.u32 s9, $0xF7A;
	s5 =	simm.s32 @!p2 $0x0  }
0x1d: {  	s5 =	simm.s32 @p1 $0x1;
	p0 =	seq.s32 s7, s2  }
0x1e: {  	s7 =	smul.u32 @!p0 $0xF7A, s2;
	p2 =	seq.s32 @!p0 s5, $0x0  }
0x1f: {  	s9 =	smul.u32 $0xF7A, s1;
	s8 =	simm.s32 @!p0 $0x1BF5;
	p2 =	por !p2, p0  }
0x20: {  	[sflag:s8] =	ssyncset.s32 @!p0 $0xFFFFF086;
	s6 =	sadd.s32 @!p0 s3, s7;
	s7 =	simm.s32 @!p0 $0x108  }
0x21: {  	s3 =	sadd.s32 s3, s9;
	s6 =	sadd.s32 @!p0 $0x88, s6;
	s7 =	simm.s32 @p2 $0x1082  }
0x22: {  	[simem:s7], [sflag:s8] =	dma.local @!p0 [hbm:s6], $0xF7A  }
0x23: {  	s9 =	sor.u32 $0xD0000000, s2;
	s6 =	simm.s32 $0x108;
	_ =	swait.ge @!p0 [sflag:s8], $0x0  }
0x24: {  	s3 =	sadd.s32 $0x88, s3;
	s6 =	simm.s32 @!p1 $0x1082;
	[sflag:s4] =	ssyncset.s32 $0xFFFFF086  }
0x25: {  	[simem:s6], [sflag:s4] =	dma.local [hbm:s3], $0xF7A  }
0x26: {  	[smem:$0x3F98] =	sst s1;
	(tag) =	ssettag s2;
	_ =	strace s9  }
0x27: {  	s1 =	sld [smem:$0x3FA8]  }
0x28: {  	s2 =	sld [smem:$0x3FA9]  }
0x29: {  	s4 =	sld [smem:$0x3FAB]  }
0x2a: {  	p0 =	seq.s32 s5, $0x0;
	s5 =	sld [smem:$0x3FAC]  }
0x2b: {  	s6 =	sld [smem:$0x3FAD]  }
0x2c: {  	s7 =	sld [smem:$0x3FAE]  }
0x2d: {  	s3 =	simm.s32 $0x108;
	s8 =	sld [smem:$0x3FAF]  }
0x2e: {  	s3 =	simm.s32 @!p0 $0x1082;
	s9 =	sld [smem:$0x3FB0]  }
0x2f: {  	lr =	sadd.s32 s0, s3;
	s0 =	sld [smem:$0x3FA7]  }
0x30: {  	s3 =	sld [smem:$0x3FAA]  }
0x31: {  	[smem:$0x3FB3] =	sst s10  }
0x32: {  	s10 =	sld [smem:$0x3FB1];
	_ =	sdelay $0x3  }
0x33: {  	p0 =	seq.s32 s10, $0x1;
	s10 =	sld [smem:$0x3FB3];
	_ =	sdelay $0x3  }
0x34: {  	[smem:$0x3FB3] =	sst s10  }
0x35: {  	s10 =	sld [smem:$0x3FB2];
	_ =	sdelay $0x3  }
0x36: {  	p1 =	seq.s32 s10, $0x1;
	s10 =	sld [smem:$0x3FB3];
	_ =	sdelay $0x3  }
0x37: {  	[smem:$0x3FB3] =	sst s10  }
0x38: {  	s10 =	sld [smem:$0x3FB4]  }
0x39: {  	_ = 	snop;
	(pc) =	sbr.ind lr, $3  }
0x3a: {  	_ = 	snop  }
0x3b: {  	_ = 	snop  }
0x3c: {  	p2 =	seq.s32 s10, $0x1;
	s10 =	sld [smem:$0x3FB3]  }
0x3d: {  	_ =	shalt  }
0x3e: {  	_ =	shalt  }
0x3f: {  	_ =	shalt  }
0x40: {  	_ =	shalt  }
0x41: {  	_ =	shalt  }
0x42: {  	_ =	shalt  }
0x43: {  	_ =	shalt  }
0x44: {  	_ =	shalt  }
0x45: {  	_ =	shalt  }
0x46: {  	_ =	shalt  }
0x47: {  	_ =	shalt  }
0x48: {  	_ =	shalt  }
0x49: {  	_ =	shalt  }
0x4a: {  	_ =	shalt  }
0x4b: {  	_ =	shalt  }
0x4c: {  	_ =	shalt  }
0x4d: {  	_ =	shalt  }
0x4e: {  	_ =	shalt  }
0x4f: {  	_ =	shalt  }
0x50: {  	_ =	shalt  }
0x51: {  	_ =	shalt  }
0x52: {  	_ =	shalt  }
0x53: {  	_ =	shalt  }
0x54: {  	_ =	shalt  }
0x55: {  	_ =	shalt  }
0x56: {  	_ =	shalt  }
0x57: {  	_ =	shalt  }
0x58: {  	_ =	shalt  }
0x59: {  	_ =	shalt  }
0x5a: {  	_ =	shalt  }
0x5b: {  	_ =	shalt  }
0x5c: {  	_ =	shalt  }
0x5d: {  	_ =	shalt  }
0x5e: {  	_ =	shalt  }
0x5f: {  	_ =	shalt  }
0x60: {  	_ =	shalt  }
0x61: {  	_ =	shalt  }
0x62: {  	_ =	shalt  }
0x63: {  	_ =	shalt  }
0x64: {  	_ =	shalt  }
0x65: {  	_ =	shalt  }
0x66: {  	_ =	shalt  }
0x67: {  	_ =	shalt  }
0x68: {  	_ =	shalt  }
0x69: {  	_ =	shalt  }
0x6a: {  	_ =	shalt  }
0x6b: {  	_ =	shalt  }
0x6c: {  	_ =	shalt  }
0x6d: {  	_ =	shalt  }
0x6e: {  	_ =	shalt  }
0x6f: {  	_ =	shalt  }
0x70: {  	_ =	shalt  }
0x71: {  	_ =	shalt  }
0x72: {  	_ =	shalt  }
0x73: {  	_ =	shalt  }
0x74: {  	_ =	shalt  }
0x75: {  	_ =	shalt  }
0x76: {  	_ =	shalt  }
0x77: {  	_ =	shalt  }
0x78: {  	_ =	shalt  }
0x79: {  	_ =	shalt  }
0x7a: {  	_ =	shalt  }
0x7b: {  	_ =	shalt  }
0x7c: {  	_ =	shalt  }
0x7d: {  	_ =	shalt  }
0x7e: {  	_ =	shalt  }
0x7f: {  	_ =	shalt  }
0x80: {  	_ =	shalt  }
0x81: {  	_ =	shalt  }
0x82: {  	_ =	shalt  }
0x83: {  	_ =	shalt  }
0x84: {  	_ =	shalt  }
0x85: {  	_ =	shalt  }
0x86: {  	_ =	shalt  }
0x87: {  	_ =	shalt  }
.Lfunc_end0:
.L_simem_size_0:
called_computation.1_lowered:
.L_overlay_start_0:
0x88: {  	s2 =	sld [smem:$0x3FD9]  }
0x89: {  	s3 =	sld [smem:$0x3FFE];
	_ =	sdelay $0x1  }
0x8a: {  	s1 =	srdreg.scid  }
0x8b: {  	s0 =	sand.u32 $0x1, s1  }
0x8c: {  	s17 =	sshll.u32 s0, $0xA;
	s2 =	sadd.s32 s3, s2  }
0x8d: {  	s2 =	sadd.s32 s2, s17  }
0x8e: {  	[smem:$0x3FBF] =	sst s2  }
0x8f: {  	_ = 	snop  }
0x90: {  	s2 =	sld [smem:$0x3FD0];
	(tm) =	ssettm $0x1  }
0x91: {  	s18 =	sld [smem:$0x3FFB];
	_ =	sdelay $0x3  }
0x92: {  	_ =	strace s18  }
0x93: {  	s3 =	sld [smem:$0x3FFC];
	_ =	sdelay $0x3  }
0x94: {  	_ =	strace s3  }
0x95: {  	s3 =	sld [smem:$0x3FFD];
	_ =	sdelay $0x3  }
0x96: {  	_ =	strace s3  }
0x97: {  	_ =	strace $0x8FFFFFFF  }
0x98: {  	s19 =	sld [smem:$0x3FDB];
	_ =	sdelay $0x1  }
0x99: {  	s4 =	simm.s32 $_scs_section_size  }
0x9a: {  	s5 =	simm.s32 $_size__tile_overlayer_lowered;
	s6 =	simm.s32 $_tile_overlayer_lowered  }
0x9b: {  	s22 =	simm.s32 $0x1BFF;
	s21 =	sshll.u32 s6, $0x1;
	s3 =	sadd.s32 s4, s19  }
0x9c: {  	s7 =	simm.s32 $0x0;
	s20 =	sshll.u32 s5, $0x1;
	s5 =	sadd.s32 s21, s3  }
0x9d: {  	[timem:s7], [sflag:s22] =	dma.local [hbm:s5], s20  }
0x9e: {  	_ =	swait.ge [sflag:s22], s20  }
0x9f: {  	s4 =	ssub.s32 $0x0, s20;
	[sflag:s22] =	ssyncset.done $0x0  }
0xa0: {  	[sflag:s22] =	ssyncadd.s32 s4;
	_ =	sdelay $0x1  }
0xa1: {  	s23 =	simm.s32 $0x1B8B  }
0xa2: {  	_ =	swait.ge [sflag:s23], $0x1  }
0xa3: {  	[sflag:s23] =	ssyncset.done $0x0  }
0xa4: {  	s25 =	simm.s32 $0x1B8E;
	s24 =	sld [smem:$0x3FFE];
	[sflag:s23] =	ssyncadd.s32 $0xFFFFFFFF  }
0xa5: {  	s26 =	simm.s32 $execute0_lowered;
	[smem:$0x3FD2] =	sst s25  }
0xa6: {  	s5 =	sshll.u32 s26, $0x1;
	_ =	strace $0x80000049;
	[dreg:$0x1] =	wrdreg $0xFFFFFFFF  }
0xa7: {  	s28 =	simm.s32 $_size_execute0_lowered;
	s3 =	sadd.s32 s3, s5;
	[dreg:$0x0] =	wrdreg $0x0  }
0xa8: {  	s5 =	sshll.u32 s28, $0x1;
	[dreg:$0x2] =	wrdreg s3  }
0xa9: {  	[dreg:$0x3] =	wrdreg s5  }
0xaa: {  	[dreg:$0x4] =	wrdreg $0xC0  }
0xab: {  	_ =	task [dreg:s7], $0x5FFFF  }
0xac: {  	[dreg:$0x1] =	wrdreg $0xFFFFFFFF  }
0xad: {  	[dreg:$0x0] =	wrdreg $0x60  }
0xae: {  	[dreg:$0x2] =	wrdreg s24  }
0xaf: {  	[dreg:$0x3] =	wrdreg s2  }
0xb0: {  	[dreg:$0x4] =	wrdreg $0x81000  }
0xb1: {  	[dreg:$0x5] =	wrdreg $0x9  }
0xb2: {  	_ =	task.clear_ibuf [dreg:s7], $0x6FFFF;
	_ =	strace $0x90000049  }
0xb3: {  	s29 =	simm.s32 $0x9;
	_ =	strace $0x8000004B  }
0xb4: {  	_ =	swait.ge [sflag:s29], $0x1  }
0xb5: {  	[sflag:s29] =	ssyncadd.s32 $0xFFFFFFFF  }
0xb6: {  	_ =	strace $0x9000004B  }
0xb7: {  	_ =	sfence  }
0xb8: {  	s30 =	sld [smem:$0x0];
	_ =	sdelay $0x2  }
0xb9: {  	s31 =	sshll.u32 s1, $0xD;
	s1 =	sshrl.u32 s1, $0x2  }
0xba: {  	s3 =	sand.u32 $0x4000, s31;
	s1 =	sadd.s32 s1, s30  }
0xbb: {  	s0 =	sor.u32 s3, s0;
	s1 =	sshll.u32 s1, $0x11  }
0xbc: {  	s0 =	sor.u32 s1, s0  }
0xbd: {  	s0 =	sadd.s32 $0x8F2B, s0  }
0xbe: {  	[sflag:s0] =	ssyncadd.remote.s32 $0x1  }
0xbf: {  	_ =	sfence.sel $0xFFFF  }
0xc0: {  	[dreg:$0x0] =	wrdreg $0xFFFFFFFF;
	(pc) =	sbr.abs _section_cstart, $3  }
0xc1: {  	[dreg:$0x1] =	wrdreg $0xFFFFFFFF  }
0xc2: {  	_ =	task.clear_ibuf [dreg:s7], $0x2FFFF;
	_ =	strace $0x9FFFFFFF  }
0xc3: {  	(tm) =	ssettm $0x7FFFFFFF  }
tec
execute0_lowered:
.L_overlay_start_1:
0x0: {  	(tag) =	ssettag $0x1  }
0x1: {  	s0 =	srdreg.scid  }
0x2: {  	s1 =	rddreg [dreg:$0x0];
	s24 =	stileid.u32  }
0x3: {  	s2 =	rddreg [dreg:$0x1];
	s0 =	sand.u32 $0x1, s0;
	s9 =	smul.u32 $0x2800, s24  }
0x4: {  	s3 =	rddreg [dreg:$0x2];
	s8 =	sor.u32 $0x10, s24;
	s7 =	smul.u32 $0x138800, s0  }
0x5: {  	s28 =	simm.s32 $0x2;
	s18 =	sor.u32 $0x20, s24;
	s10 =	smul.u32 $0x2800, s8  }
0x6: {  	s29 =	simm.s32 $0x80;
	s19 =	sor.u32 $0x30, s24;
	s11 =	smul.u32 $0x2800, s18  }
0x7: {  	s30 =	simm.s32 $0x100;
	s20 =	sor.u32 $0x40, s24;
	s12 =	smul.u32 $0x2800, s19  }
0x8: {  	s31 =	simm.s32 $0x1;
	s21 =	sor.u32 $0x50, s24;
	s15 =	smul.u32 $0x2800, s20  }
0x9: {  	s6 =	sadd.s32 $0xB000, s1;
	s22 =	sor.u32 $0x60, s24;
	s25 =	smul.u32 $0x2800, s21  }
0xa: {  	s14 =	sadd.s32 $0x76C000, s1;
	s23 =	sor.u32 $0x70, s24;
	s16 =	smul.u32 $0x2800, s22  }
0xb: {  	s4 =	sshll.u32 s0, $0x4;
	s0 =	ssub.s32 $0x2, s0;
	s17 =	smul.u32 $0x2800, s23  }
0xc: {  	p0 =	sgt.u32 s23, $0x7C;
	s5 =	sor.u32 s24, s4;
	s24 =	smul.u32 $0xA000, s24  }
0xd: {  	s4 =	simm.s32 $0x0;
	s13 =	sshrl.u32 s0, $0x1;
	s5 =	smul.u32 $0x2780, s5  }
0xe: {  	[smem:$0x7FF] =	sst s4;
	s0 =	ssub.s32 s0, s13;
	s9 =	sadd.s32 s7, s9  }
0xf: {  	s10 =	sadd.s32 s7, s10;
	s11 =	sadd.s32 s7, s11;
	s12 =	sadd.s32 s7, s12  }
0x10: {  	s15 =	sadd.s32 s7, s15;
	s13 =	sadd.s32 s7, s25;
	s16 =	sadd.s32 s7, s16  }
0x11: {  	s7 =	sadd.s32 s7, s17;
	s25 =	smul.u32 $0xA000, s8;
	_ =	strace $0x8000004A  }
0x12: {  	s9 =	sshrl.u32 s9, $0x3;
	s26 =	sshrl.u32 s10, $0x3;
	s10 =	sshrl.u32 s11, $0x3  }
0x13: {  	s11 =	sshrl.u32 s12, $0x3;
	s12 =	sshrl.u32 s15, $0x3;
	s15 =	sshrl.u32 s13, $0x3  }
0x14: {  	s17 =	sshrl.u32 s16, $0x3;
	s7 =	sshrl.u32 s7, $0x3;
	s16 =	sadd.s32 $0x27C000, s1  }
0x15: {  	s8 =	sshrl.u32 s24, $0x2;
	s24 =	smul.u32 $0xA000, s20;
	s9 =	sadd.s32 s14, s9  }
0x16: {  	s13 =	sadd.s32 s14, s17;
	s17 =	smax.u32 s0, $0x1;
	[dreg:$0x4] =	wrdreg s9  }
0x17: {  	s9 =	sadd.s32 s14, s26;
	s26 =	smul.u32 $0xA000, s18;
	s18 =	sadd.s32 s8, s3  }
0x18: {  	[dreg:$0x5] =	wrdreg s9;
	s9 =	sadd.s32 s14, s10;
	s10 =	sadd.s32 s14, s11  }
0x19: {  	s11 =	sadd.s32 s14, s12;
	s12 =	sadd.s32 s14, s15;
	s14 =	sadd.s32 s14, s7  }
0x1a: {  	s15 =	sadd.s32 $0x1200, s1;
	[dreg:$0x6] =	wrdreg s9;
	s9 =	smul.u32 $0xA000, s19  }
0x1b: {  	s7 =	sshrl.u32 s25, $0x2;
	s0 =	sshrl.u32 s26, $0x2;
	s26 =	smul.u32 $0xA000, s21  }
0x1c: {  	s1 =	sshrl.u32 s24, $0x2;
	s19 =	sadd.s32 s7, s3;
	s7 =	smul.u32 $0xA000, s22  }
0x1d: {  	s22 =	sadd.s32 s1, s3;
	s25 =	sshrl.u32 s9, $0x2;
	s9 =	smul.u32 $0xA000, s23  }
0x1e: {  	s20 =	sadd.s32 s0, s3;
	s0 =	sshrl.u32 s7, $0x2;
	s21 =	sadd.s32 s25, s3  }
0x1f: {  	s25 =	sshrl.u32 s26, $0x2;
	s24 =	sadd.s32 s0, s3;
	s26 =	sshrl.u32 s9, $0x2  }
0x20: {  	v0 =	vimm.f32 $0.0e+00;
	s23 =	sadd.s32 s25, s3;
	s25 =	sadd.s32 s26, s3;
	s26 =	simm.s32 $0x4100  }
.LBB2_1:
0x21: {  	s0 =	simm.s32 $0x0;
	s1 =	simm.s32 $0x200  }
.LBB2_2:
0x22: {  	p1 =	sne.s32 s1, $0x9E00;
	[tilespmem:s0+$0x4170] =	vst v0  }
0x23: {  	[tilespmem:s0+$0x4100] =	vst v0  }
0x24: {  	[tilespmem:s0+$0x4110] =	vst v0  }
.Ltmp0:
0x25: {  	[tilespmem:s0+$0x4120] =	vst v0;
	(pc) =	sbr.rel @p1 .LBB2_2-.Ltmp0, $4  }
0x26: {  	[tilespmem:s0+$0x4130] =	vst v0  }
0x27: {  	[tilespmem:s0+$0x4140] =	vst v0  }
0x28: {  	[tilespmem:s0+$0x4150] =	vst v0  }
0x29: {  	[tilespmem:s0+$0x4160] =	vst v0;
	s0 =	sshra.s32 s1, $0x2;
	s1 =	sadd.s32 $0x200, s1  }
0x2a: {  	[tilespmem:s0+$0x4170] =	vst v0  }
0x2b: {  	[tilespmem:s0+$0x4100] =	vst v0  }
0x2c: {  	[tilespmem:s0+$0x4110] =	vst v0  }
0x2d: {  	[tilespmem:s0+$0x4120] =	vst v0  }
0x2e: {  	[tilespmem:s0+$0x4130] =	vst v0  }
0x2f: {  	[tilespmem:s0+$0x4140] =	vst v0  }
0x30: {  	[tilespmem:s0+$0x4150] =	vst v0  }
0x31: {  	[tilespmem:s0+$0x4160] =	vst v0  }
0x32: {  	[spmem:s18] =	stream.linear.scatter [tilespmem:s26], [sflag:$0x2], $0x2800, $0x38;
	[tilespmem:$0x1B980] =	vst v63  }
0x33: {  	_ =	swait.ge [sflag:s28], $0x2800  }
0x34: {  	[sflag:s28] =	ssyncset.done $0x0  }
0x35: {  	[sflag:s28] =	ssyncadd.s32 $0xFFFFD800  }
0x36: {  	[spmem:s19] =	stream.linear.scatter [tilespmem:s26], [sflag:$0x2], $0x2800, $0x38;
	[tilespmem:$0x1B980] =	vst v63  }
0x37: {  	_ =	swait.ge [sflag:s28], $0x2800  }
0x38: {  	[sflag:s28] =	ssyncset.done $0x0  }
0x39: {  	[sflag:s28] =	ssyncadd.s32 $0xFFFFD800  }
0x3a: {  	[spmem:s20] =	stream.linear.scatter [tilespmem:s26], [sflag:$0x2], $0x2800, $0x38;
	[tilespmem:$0x1B980] =	vst v63  }
0x3b: {  	_ =	swait.ge [sflag:s28], $0x2800  }
0x3c: {  	[sflag:s28] =	ssyncset.done $0x0  }
0x3d: {  	[sflag:s28] =	ssyncadd.s32 $0xFFFFD800  }
0x3e: {  	[spmem:s21] =	stream.linear.scatter [tilespmem:s26], [sflag:$0x2], $0x2800, $0x38;
	[tilespmem:$0x1B980] =	vst v63  }
0x3f: {  	_ =	swait.ge [sflag:s28], $0x2800  }
0x40: {  	[sflag:s28] =	ssyncset.done $0x0  }
0x41: {  	[sflag:s28] =	ssyncadd.s32 $0xFFFFD800  }
0x42: {  	[spmem:s22] =	stream.linear.scatter [tilespmem:s26], [sflag:$0x2], $0x2800, $0x38;
	[tilespmem:$0x1B980] =	vst v63  }
0x43: {  	_ =	swait.ge [sflag:s28], $0x2800  }
0x44: {  	[sflag:s28] =	ssyncset.done $0x0  }
0x45: {  	[sflag:s28] =	ssyncadd.s32 $0xFFFFD800  }
0x46: {  	[spmem:s23] =	stream.linear.scatter [tilespmem:s26], [sflag:$0x2], $0x2800, $0x38;
	[tilespmem:$0x1B980] =	vst v63  }
0x47: {  	_ =	swait.ge [sflag:s28], $0x2800  }
0x48: {  	[sflag:s28] =	ssyncset.done $0x0  }
0x49: {  	[sflag:s28] =	ssyncadd.s32 $0xFFFFD800  }
0x4a: {  	[spmem:s24] =	stream.linear.scatter [tilespmem:s26], [sflag:$0x2], $0x2800, $0x38;
	[tilespmem:$0x1B980] =	vst v63  }
0x4b: {  	_ =	swait.ge [sflag:s28], $0x2800  }
0x4c: {  	[sflag:s28] =	ssyncset.done $0x0  }
0x4d: {  	s0 =	simm.s32 @!p0 $0x4100;
	[sflag:s28] =	ssyncadd.s32 $0xFFFFD800  }
0x4e: {  	[spmem:s25] =	stream.linear.scatter @!p0 [tilespmem:s0], [sflag:$0x2], $0x2800, $0x38;
	[tilespmem:$0x1B980] =	vst v63  }
0x4f: {  	s0 =	simm.s32 @!p0 $0x2  }
0x50: {  	_ =	swait.ge @!p0 [sflag:s0], $0x2800  }
0x51: {  	[sflag:s0] =	ssyncset.done @!p0 $0x0  }
0x52: {  	[sflag:s0] =	ssyncadd.s32 @!p0 $0xFFFFD800  }
0x53: {  	s1 =	simm.s32 $0x0;
	s0 =	simm.s32 $0x0;
	[bflag:$0x0] =	sbarrier.arrive $0xFFFF  }
.LBB2_4:
0x54: {  	s7 =	sshll.u32 s0, $0x7  }
0x55: {  	s7 =	sadd.s32 s5, s7  }
0x56: {  	s8 =	sshrl.u32 s7, $0x3  }
0x57: {  	s9 =	sadd.s32 s2, s8  }
0x58: {  	[tilespmem:s1], [sflag:$0x2] =	stream.linear.gather [hbm4b:s9+s1], $0x80, $0x38;
	[tilespmem:$0x1B980] =	vst v63  }
0x59: {  	_ =	swait.ge [sflag:s28], $0x80  }
0x5a: {  	[sflag:s28] =	ssyncset.done $0x0  }
0x5b: {  	s8 =	sadd.s32 s15, s8;
	[sflag:s28] =	ssyncadd.s32 $0xFFFFFF80  }
0x5c: {  	[tilespmem:s29], [sflag:$0x2] =	stream.linear.gather [hbm4b:s8+s1], $0x80, $0x38;
	[tilespmem:$0x1B980] =	vst v63  }
0x5d: {  	_ =	swait.ge [sflag:s28], $0x80  }
0x5e: {  	s7 =	sshll.u32 s7, $0x4;
	[sflag:s28] =	ssyncset.done $0x0  }
0x5f: {  	s7 =	sadd.s32 s16, s7;
	[sflag:s28] =	ssyncadd.s32 $0xFFFFFF80  }
0x60: {  	[tilespmem:s30], [sflag:$0x2] =	stream.linear.gather [hbm4b:s7+s1], $0x4000, $0x38;
	[tilespmem:$0x1B980] =	vst v63  }
0x61: {  	_ =	swait.ge [sflag:s28], $0x4000  }
0x62: {  	[sflag:s28] =	ssyncset.done $0x0  }
0x63: {  	[sflag:s28] =	ssyncadd.s32 $0xFFFFC000  }
0x64: {  	[tilespmem:s26], [sflag:$0x1] =	stream.indirect.gather [hbm4b:s6+s29], $0x80, s1, s29, $0xb8;
	[tilespmem:$0x1B980] =	vst v63  }
0x65: {  	_ =	swait.ge [sflag:s31], $0x4000  }
0x66: {  	[sflag:s31] =	ssyncset.done $0x0  }
0x67: {  	s7 =	simm.s32 $0x0;
	[sflag:s31] =	ssyncadd.s32 $0xFFFFC000  }
0x68: {  	v1 =	vld [tilespmem:s7+$0x100]  }
0x69: {  	v5 =	vld [tilespmem:s7+$0x4100]  }
0x6a: {  	v7 =	vld [tilespmem:s7+$0x4110]  }
0x6b: {  	v6 =	vld [tilespmem:s7+$0x4120]  }
0x6c: {  	v4 =	vld [tilespmem:s7+$0x4130]  }
0x6d: {  	v2 =	vld [tilespmem:s7+$0x4140]  }
0x6e: {  	v3 =	vld [tilespmem:s7+$0x4150];
	v8 =	vmul.f32 v5, v1  }
0x6f: {  	s8 =	simm.s32 $0x200;
	v7 =	vmul.f32 v7, v1;
	v5 =	vld [tilespmem:s7+$0x4160]  }
.LBB2_5:
0x70: {  	s9 =	sshra.s32 s8, $0x2;
	p1 =	sne.s32 s8, $0xFE00;
	[tilespmem:s7+$0x4100] =	vst v8;
	v6 =	vmul.f32 v6, v1;
	v8 =	vld [tilespmem:s7+$0x4170]  }
0x71: {  	v9 =	vld [tilespmem:s9+$0x100];
	[tilespmem:s7+$0x4110] =	vst v7;
	v4 =	vmul.f32 v4, v1  }
0x72: {  	v7 =	vld [tilespmem:s9+$0x4100];
	[tilespmem:s7+$0x4120] =	vst v6;
	v2 =	vmul.f32 v2, v1  }
0x73: {  	v10 =	vld [tilespmem:s9+$0x4110];
	[tilespmem:s7+$0x4130] =	vst v4;
	v3 =	vmul.f32 v3, v1  }
.Ltmp1:
0x74: {  	v6 =	vld [tilespmem:s9+$0x4120];
	[tilespmem:s7+$0x4140] =	vst v2;
	v5 =	vmul.f32 v5, v1;
	(pc) =	sbr.rel @p1 .LBB2_5-.Ltmp1, $4  }
0x75: {  	v4 =	vld [tilespmem:s9+$0x4130];
	[tilespmem:s7+$0x4150] =	vst v3;
	v11 =	vmul.f32 v8, v1  }
0x76: {  	v2 =	vld [tilespmem:s9+$0x4140];
	[tilespmem:s7+$0x4160] =	vst v5;
	v1 =	vmov v9  }
0x77: {  	v8 =	vmul.f32 v7, v1;
	v3 =	vld [tilespmem:s9+$0x4150];
	[tilespmem:s7+$0x4170] =	vst v11;
	s7 =	smov.u32 s9  }
0x78: {  	s8 =	sadd.s32 $0x200, s8;
	v7 =	vmul.f32 v10, v1;
	v5 =	vld [tilespmem:s7+$0x4160]  }
0x79: {  	[tilespmem:s7+$0x4100] =	vst v8;
	v6 =	vmul.f32 v6, v1;
	v63 =	vld [tilespmem:s7+$0x4170]  }
0x7a: {  	[tilespmem:s7+$0x4110] =	vst v7;
	v4 =	vmul.f32 v4, v1  }
0x7b: {  	[tilespmem:s7+$0x4120] =	vst v6;
	v2 =	vmul.f32 v2, v1  }
0x7c: {  	[tilespmem:s7+$0x4130] =	vst v4;
	v3 =	vmul.f32 v3, v1  }
0x7d: {  	[tilespmem:s7+$0x4140] =	vst v2;
	v2 =	vmul.f32 v5, v1  }
0x7e: {  	s0 =	sadd.s32 $0x1, s0;
	[tilespmem:s7+$0x4150] =	vst v3;
	v1 =	vmul.f32 v63, v1  }
0x7f: {  	p1 =	sne.s32 s0, $0x4F;
	[tilespmem:s7+$0x4160] =	vst v2  }
.Ltmp2:
0x80: {  	[tilespmem:s7+$0x4170] =	vst v1;
	(pc) =	sbr.rel @p1 .LBB2_4-.Ltmp2, $4  }
0x81: {  	[spmem:s3] =	stream.indirect.scatter.add.f32 [tilespmem:s26], [sflag:$0x2], $0x80, s29, s29, $0xb8;
	[tilespmem:$0x1B980] =	vst v63  }
0x82: {  	_ =	swait.ge [sflag:s28], $0x4000  }
0x83: {  	[sflag:s28] =	ssyncset.done $0x0  }
0x84: {  	[sflag:s28] =	ssyncadd.s32 $0xFFFFC000  }
0x85: {  	s0 =	stileid.u32  }
0x86: {  	[bflag:$0x0] =	sbarrier.arrive $0xFFFF;
	s0 =	sshll.u32 s0, $0x6  }
0x87: {  	s1 =	sshrl.u32 s18, $0x3;
	s7 =	rddreg [dreg:$0x4];
	s0 =	sor.u32 $0x1C02, s0  }
0x88: {  	[hbm:s7], [sflag:s0] =	dma.local [spmem:s1], $0x500  }
0x89: {  	_ =	swait.ge [sflag:s28], $0x500  }
0x8a: {  	[sflag:s28] =	ssyncset.done $0x0  }
0x8b: {  	s8 =	sshrl.u32 s19, $0x3;
	s9 =	rddreg [dreg:$0x5];
	[sflag:s28] =	ssyncadd.s32 $0xFFFFFB00  }
0x8c: {  	[hbm:s9], [sflag:s0] =	dma.local [spmem:s8], $0x500  }
0x8d: {  	_ =	swait.ge [sflag:s28], $0x500  }
0x8e: {  	[sflag:s28] =	ssyncset.done $0x0  }
0x8f: {  	s7 =	sshrl.u32 s20, $0x3;
	s8 =	rddreg [dreg:$0x6];
	[sflag:s28] =	ssyncadd.s32 $0xFFFFFB00  }
0x90: {  	[hbm:s8], [sflag:s0] =	dma.local [spmem:s7], $0x500  }
0x91: {  	_ =	swait.ge [sflag:s28], $0x500  }
0x92: {  	[sflag:s28] =	ssyncset.done $0x0  }
0x93: {  	s9 =	sshrl.u32 s21, $0x3;
	[sflag:s28] =	ssyncadd.s32 $0xFFFFFB00  }
0x94: {  	[hbm:s10], [sflag:s0] =	dma.local [spmem:s9], $0x500  }
0x95: {  	_ =	swait.ge [sflag:s28], $0x500  }
0x96: {  	[sflag:s28] =	ssyncset.done $0x0  }
0x97: {  	s7 =	sshrl.u32 s22, $0x3;
	[sflag:s28] =	ssyncadd.s32 $0xFFFFFB00  }
0x98: {  	[hbm:s11], [sflag:s0] =	dma.local [spmem:s7], $0x500  }
0x99: {  	_ =	swait.ge [sflag:s28], $0x500  }
0x9a: {  	[sflag:s28] =	ssyncset.done $0x0  }
0x9b: {  	s8 =	sshrl.u32 s23, $0x3;
	[sflag:s28] =	ssyncadd.s32 $0xFFFFFB00  }
0x9c: {  	[hbm:s12], [sflag:s0] =	dma.local [spmem:s8], $0x500  }
0x9d: {  	_ =	swait.ge [sflag:s28], $0x500  }
0x9e: {  	[sflag:s28] =	ssyncset.done $0x0  }
0x9f: {  	s9 =	sshrl.u32 s24, $0x3;
	[sflag:s28] =	ssyncadd.s32 $0xFFFFFB00  }
0xa0: {  	[hbm:s13], [sflag:s0] =	dma.local [spmem:s9], $0x500  }
0xa1: {  	_ =	swait.ge [sflag:s28], $0x500  }
0xa2: {  	s4 =	sadd.s32 $0x1, s4;
	[sflag:s28] =	ssyncset.done $0x0  }
0xa3: {  	p1 =	sne.s32 s4, s17;
	s1 =	sshrl.u32 @!p0 s25, $0x3;
	[sflag:s28] =	ssyncadd.s32 $0xFFFFFB00  }
0xa4: {  	[hbm:s14], [sflag:s0] =	dma.local @!p0 [spmem:s1], $0x500  }
.Ltmp3:
0xa5: {  	_ = 	snop;
	(pc) =	sbr.rel @p1 .LBB2_1-.Ltmp3, $4  }
0xa6: {  	s0 =	simm.s32 @!p0 $0x2  }
0xa7: {  	_ =	swait.ge @!p0 [sflag:s0], $0x500  }
0xa8: {  	[sflag:s0] =	ssyncset.done @!p0 $0x0  }
0xa9: {  	[sflag:s0] =	ssyncadd.s32 @!p0 $0xFFFFFB00  }
0xaa: {  	_ =	sfence.sel $0x180000  }
0xab: {  	[bflag:$0x0] =	sbarrier.arrive $0xFFFF  }
0xac: {  	_ =	strace $0x9000004A  }
0xad: {  	s0 =	stileid.u32;
	[bflag:$0x2] =	sbarrier.arrive $0xFFFF  }
0xae: {  	p0 =	sne.s32 s0, $0x0;
	s0 =	rddreg [dreg:$0x3]  }
0xaf: {  	s0 =	sadd.s32 @!p0 $0x100000, s0  }
0xb0: {  	[sflag:s0] =	ssyncadd.tile.s32 @!p0 $0x1;
	_ =	shalt  }
.Lfunc_end2:
_tile_overlayer_lowered:
.L_overlay_start_2:
0xb1: {  	(tag) =	ssettag $0x2  }
0xb2: {  	s0 =	rddreg [dreg:$0x0];
	s2 =	stileid.u32  }
0xb3: {  	s1 =	rddreg [dreg:$0x1];
	p0 =	sne.s32 s2, $0x0  }
0xb4: {  	s3 =	rddreg [dreg:$0x2];
	[bflag:$0x3] =	sbarrier.arrive $0xFFFF;
	s2 =	simm.s32 @!p0 $0x1C02  }
0xb5: {  	[timem:s3], [sflag:s2] =	dma.local @!p0 [hbm:s0], s1  }
0xb6: {  	s0 =	simm.s32 @!p0 $0x2  }
0xb7: {  	_ =	swait.ge @!p0 [sflag:s0], s1  }
0xb8: {  	s1 =	ssub.s32 @!p0 $0x0, s1;
	[sflag:s0] =	ssyncset.done @!p0 $0x0  }
0xb9: {  	[sflag:s0] =	ssyncadd.s32 @!p0 s1  }
0xba: {  	[bflag:$0x3] =	sbarrier.arrive $0xFFFF  }
0xbb: {  	_ =	shalt  }

// kernel: kernel.17.cloned.1.call-start
scs
__scs_entry_jumppad:
0x0: {  	(pc) =	sbr.rel $0x88, $3  }
0x1: {  	(tag) =	ssettag $0x0;
	lr =	simm.s32 $0x1  }
0x2: {  	[smem:$0x3F98] =	sst lr;
	_ =	strace $0xD0000000  }
0x3: {  	_ = 	snop  }
0x4: {  	_ = 	snop  }
0x5: {  	_ = 	snop  }
0x6: {  	_ = 	snop  }
0x7: {  	_ = 	snop  }
__scs_overlays_trampoline_lowered:
0x8: {  	[smem:$0x3FA7] =	sst s0  }
0x9: {  	[smem:$0x3FA8] =	sst s1  }
0xa: {  	[smem:$0x3FA9] =	sst s2  }
0xb: {  	[smem:$0x3FAA] =	sst s3  }
0xc: {  	[smem:$0x3FAB] =	sst s4  }
0xd: {  	[smem:$0x3FAC] =	sst s5  }
0xe: {  	[smem:$0x3FAD] =	sst s6  }
0xf: {  	[smem:$0x3FAE] =	sst s7  }
0x10: {  	[smem:$0x3FAF] =	sst s8  }
0x11: {  	[smem:$0x3FB0] =	sst s9;
	s0 =	simm.s32 @!p0 $0x0  }
0x12: {  	s1 =	sld [smem:$0x3F96];
	s0 =	simm.s32 @p0 $0x1  }
0x13: {  	[smem:$0x3FB1] =	sst s0;
	s0 =	simm.s32 @!p1 $0x0  }
0x14: {  	s2 =	sld [smem:$0x3F95];
	s0 =	simm.s32 @p1 $0x1  }
0x15: {  	[smem:$0x3FB2] =	sst s0;
	s0 =	simm.s32 @!p2 $0x0  }
0x16: {  	s3 =	sld [smem:$0x3FDB];
	s0 =	simm.s32 @p2 $0x1  }
0x17: {  	s4 =	simm.s32 $0x1BF5;
	[smem:$0x3FB4] =	sst s0  }
0x18: {  	s0 =	sld [smem:$0x3F97];
	_ =	swait.ge [sflag:s4], $0x0  }
0x19: {  	s7 =	sld [smem:$0x3F98]  }
0x1a: {  	s8 =	sadd.s32 $0xFFFFE003, lr  }
0x1b: {  	s9 =	sadd.s32 $0xFFFFFEF7, lr;
	s5 =	simm.s32 $0xFFFFFFFF;
	p2 =	slt.u32 s8, $0xFFFFF086  }
0x1c: {  	p1 =	slt.u32 s9, $0xF7A;
	s5 =	simm.s32 @!p2 $0x0  }
0x1d: {  	s5 =	simm.s32 @p1 $0x1;
	p0 =	seq.s32 s7, s2  }
0x1e: {  	s7 =	smul.u32 @!p0 $0xF7A, s2;
	p2 =	seq.s32 @!p0 s5, $0x0  }
0x1f: {  	s9 =	smul.u32 $0xF7A, s1;
	s8 =	simm.s32 @!p0 $0x1BF5;
	p2 =	por !p2, p0  }
0x20: {  	[sflag:s8] =	ssyncset.s32 @!p0 $0xFFFFF086;
	s6 =	sadd.s32 @!p0 s3, s7;
	s7 =	simm.s32 @!p0 $0x108  }
0x21: {  	s3 =	sadd.s32 s3, s9;
	s6 =	sadd.s32 @!p0 $0x88, s6;
	s7 =	simm.s32 @p2 $0x1082  }
0x22: {  	[simem:s7], [sflag:s8] =	dma.local @!p0 [hbm:s6], $0xF7A  }
0x23: {  	s9 =	sor.u32 $0xD0000000, s2;
	s6 =	simm.s32 $0x108;
	_ =	swait.ge @!p0 [sflag:s8], $0x0  }
0x24: {  	s3 =	sadd.s32 $0x88, s3;
	s6 =	simm.s32 @!p1 $0x1082;
	[sflag:s4] =	ssyncset.s32 $0xFFFFF086  }
0x25: {  	[simem:s6], [sflag:s4] =	dma.local [hbm:s3], $0xF7A  }
0x26: {  	[smem:$0x3F98] =	sst s1;
	(tag) =	ssettag s2;
	_ =	strace s9  }
0x27: {  	s1 =	sld [smem:$0x3FA8]  }
0x28: {  	s2 =	sld [smem:$0x3FA9]  }
0x29: {  	s4 =	sld [smem:$0x3FAB]  }
0x2a: {  	p0 =	seq.s32 s5, $0x0;
	s5 =	sld [smem:$0x3FAC]  }
0x2b: {  	s6 =	sld [smem:$0x3FAD]  }
0x2c: {  	s7 =	sld [smem:$0x3FAE]  }
0x2d: {  	s3 =	simm.s32 $0x108;
	s8 =	sld [smem:$0x3FAF]  }
0x2e: {  	s3 =	simm.s32 @!p0 $0x1082;
	s9 =	sld [smem:$0x3FB0]  }
0x2f: {  	lr =	sadd.s32 s0, s3;
	s0 =	sld [smem:$0x3FA7]  }
0x30: {  	s3 =	sld [smem:$0x3FAA]  }
0x31: {  	[smem:$0x3FB3] =	sst s10  }
0x32: {  	s10 =	sld [smem:$0x3FB1];
	_ =	sdelay $0x3  }
0x33: {  	p0 =	seq.s32 s10, $0x1;
	s10 =	sld [smem:$0x3FB3];
	_ =	sdelay $0x3  }
0x34: {  	[smem:$0x3FB3] =	sst s10  }
0x35: {  	s10 =	sld [smem:$0x3FB2];
	_ =	sdelay $0x3  }
0x36: {  	p1 =	seq.s32 s10, $0x1;
	s10 =	sld [smem:$0x3FB3];
	_ =	sdelay $0x3  }
0x37: {  	[smem:$0x3FB3] =	sst s10  }
0x38: {  	s10 =	sld [smem:$0x3FB4]  }
0x39: {  	_ = 	snop;
	(pc) =	sbr.ind lr, $3  }
0x3a: {  	_ = 	snop  }
0x3b: {  	_ = 	snop  }
0x3c: {  	p2 =	seq.s32 s10, $0x1;
	s10 =	sld [smem:$0x3FB3]  }
0x3d: {  	_ =	shalt  }
0x3e: {  	_ =	shalt  }
0x3f: {  	_ =	shalt  }
0x40: {  	_ =	shalt  }
0x41: {  	_ =	shalt  }
0x42: {  	_ =	shalt  }
0x43: {  	_ =	shalt  }
0x44: {  	_ =	shalt  }
0x45: {  	_ =	shalt  }
0x46: {  	_ =	shalt  }
0x47: {  	_ =	shalt  }
0x48: {  	_ =	shalt  }
0x49: {  	_ =	shalt  }
0x4a: {  	_ =	shalt  }
0x4b: {  	_ =	shalt  }
0x4c: {  	_ =	shalt  }
0x4d: {  	_ =	shalt  }
0x4e: {  	_ =	shalt  }
0x4f: {  	_ =	shalt  }
0x50: {  	_ =	shalt  }
0x51: {  	_ =	shalt  }
0x52: {  	_ =	shalt  }
0x53: {  	_ =	shalt  }
0x54: {  	_ =	shalt  }
0x55: {  	_ =	shalt  }
0x56: {  	_ =	shalt  }
0x57: {  	_ =	shalt  }
0x58: {  	_ =	shalt  }
0x59: {  	_ =	shalt  }
0x5a: {  	_ =	shalt  }
0x5b: {  	_ =	shalt  }
0x5c: {  	_ =	shalt  }
0x5d: {  	_ =	shalt  }
0x5e: {  	_ =	shalt  }
0x5f: {  	_ =	shalt  }
0x60: {  	_ =	shalt  }
0x61: {  	_ =	shalt  }
0x62: {  	_ =	shalt  }
0x63: {  	_ =	shalt  }
0x64: {  	_ =	shalt  }
0x65: {  	_ =	shalt  }
0x66: {  	_ =	shalt  }
0x67: {  	_ =	shalt  }
0x68: {  	_ =	shalt  }
0x69: {  	_ =	shalt  }
0x6a: {  	_ =	shalt  }
0x6b: {  	_ =	shalt  }
0x6c: {  	_ =	shalt  }
0x6d: {  	_ =	shalt  }
0x6e: {  	_ =	shalt  }
0x6f: {  	_ =	shalt  }
0x70: {  	_ =	shalt  }
0x71: {  	_ =	shalt  }
0x72: {  	_ =	shalt  }
0x73: {  	_ =	shalt  }
0x74: {  	_ =	shalt  }
0x75: {  	_ =	shalt  }
0x76: {  	_ =	shalt  }
0x77: {  	_ =	shalt  }
0x78: {  	_ =	shalt  }
0x79: {  	_ =	shalt  }
0x7a: {  	_ =	shalt  }
0x7b: {  	_ =	shalt  }
0x7c: {  	_ =	shalt  }
0x7d: {  	_ =	shalt  }
0x7e: {  	_ =	shalt  }
0x7f: {  	_ =	shalt  }
0x80: {  	_ =	shalt  }
0x81: {  	_ =	shalt  }
0x82: {  	_ =	shalt  }
0x83: {  	_ =	shalt  }
0x84: {  	_ =	shalt  }
0x85: {  	_ =	shalt  }
0x86: {  	_ =	shalt  }
0x87: {  	_ =	shalt  }
.Lfunc_end0:
.L_simem_size_0:
called_computation.2_lowered:
.L_overlay_start_0:
0x88: {  	s2 =	sld [smem:$0x3FD9]  }
0x89: {  	s3 =	sld [smem:$0x3FFE];
	_ =	sdelay $0x1  }
0x8a: {  	s1 =	srdreg.scid  }
0x8b: {  	s0 =	sand.u32 $0x1, s1  }
0x8c: {  	s17 =	sshll.u32 s0, $0xA;
	s2 =	sadd.s32 s3, s2  }
0x8d: {  	s2 =	sadd.s32 s2, s17  }
0x8e: {  	[smem:$0x3FBF] =	sst s2  }
0x8f: {  	_ = 	snop  }
0x90: {  	s2 =	sld [smem:$0x3FD0];
	(tm) =	ssettm $0x1  }
0x91: {  	s18 =	sld [smem:$0x3FFB];
	_ =	sdelay $0x3  }
0x92: {  	_ =	strace s18  }
0x93: {  	s3 =	sld [smem:$0x3FFC];
	_ =	sdelay $0x3  }
0x94: {  	_ =	strace s3  }
0x95: {  	s3 =	sld [smem:$0x3FFD];
	_ =	sdelay $0x3  }
0x96: {  	_ =	strace s3  }
0x97: {  	_ =	strace $0x8FFFFFFF  }
0x98: {  	s19 =	sld [smem:$0x3FDB];
	_ =	sdelay $0x1  }
0x99: {  	s4 =	simm.s32 $_scs_section_size  }
0x9a: {  	s5 =	simm.s32 $_size__tile_overlayer_lowered;
	s6 =	simm.s32 $_tile_overlayer_lowered  }
0x9b: {  	s22 =	simm.s32 $0x1BFF;
	s21 =	sshll.u32 s6, $0x1;
	s3 =	sadd.s32 s4, s19  }
0x9c: {  	s7 =	simm.s32 $0x0;
	s20 =	sshll.u32 s5, $0x1;
	s5 =	sadd.s32 s21, s3  }
0x9d: {  	[timem:s7], [sflag:s22] =	dma.local [hbm:s5], s20  }
0x9e: {  	_ =	swait.ge [sflag:s22], s20  }
0x9f: {  	s4 =	ssub.s32 $0x0, s20;
	[sflag:s22] =	ssyncset.done $0x0  }
0xa0: {  	[sflag:s22] =	ssyncadd.s32 s4;
	_ =	sdelay $0x1  }
0xa1: {  	s23 =	simm.s32 $0x1B8B  }
0xa2: {  	_ =	swait.ge [sflag:s23], $0x1  }
0xa3: {  	[sflag:s23] =	ssyncset.done $0x0  }
0xa4: {  	s25 =	simm.s32 $0x1B8E;
	s24 =	sld [smem:$0x3FFE];
	[sflag:s23] =	ssyncadd.s32 $0xFFFFFFFF  }
0xa5: {  	s26 =	simm.s32 $execute0_lowered;
	[smem:$0x3FD2] =	sst s25  }
0xa6: {  	s5 =	sshll.u32 s26, $0x1;
	_ =	strace $0x8000004C;
	[dreg:$0x1] =	wrdreg $0xFFFFFFFF  }
0xa7: {  	s28 =	simm.s32 $_size_execute0_lowered;
	s3 =	sadd.s32 s3, s5;
	[dreg:$0x0] =	wrdreg $0x0  }
0xa8: {  	s5 =	sshll.u32 s28, $0x1;
	[dreg:$0x2] =	wrdreg s3  }
0xa9: {  	[dreg:$0x3] =	wrdreg s5  }
0xaa: {  	[dreg:$0x4] =	wrdreg $0xC0  }
0xab: {  	_ =	task [dreg:s7], $0x5FFFF  }
0xac: {  	[dreg:$0x1] =	wrdreg $0xFFFFFFFF  }
0xad: {  	[dreg:$0x0] =	wrdreg $0x60  }
0xae: {  	[dreg:$0x2] =	wrdreg s24  }
0xaf: {  	[dreg:$0x3] =	wrdreg s2  }
0xb0: {  	[dreg:$0x4] =	wrdreg $0x81000  }
0xb1: {  	[dreg:$0x5] =	wrdreg $0x9  }
0xb2: {  	_ =	task.clear_ibuf [dreg:s7], $0x6FFFF;
	_ =	strace $0x9000004C  }
0xb3: {  	s29 =	simm.s32 $0x9;
	_ =	strace $0x8000004E  }
0xb4: {  	_ =	swait.ge [sflag:s29], $0x1  }
0xb5: {  	[sflag:s29] =	ssyncadd.s32 $0xFFFFFFFF  }
0xb6: {  	_ =	strace $0x9000004E  }
0xb7: {  	_ =	sfence  }
0xb8: {  	s30 =	sld [smem:$0x0];
	_ =	sdelay $0x2  }
0xb9: {  	s31 =	sshll.u32 s1, $0xD;
	s1 =	sshrl.u32 s1, $0x2  }
0xba: {  	s3 =	sand.u32 $0x4000, s31;
	s1 =	sadd.s32 s1, s30  }
0xbb: {  	s0 =	sor.u32 s3, s0;
	s1 =	sshll.u32 s1, $0x11  }
0xbc: {  	s0 =	sor.u32 s1, s0  }
0xbd: {  	s0 =	sadd.s32 $0x8F2B, s0  }
0xbe: {  	[sflag:s0] =	ssyncadd.remote.s32 $0x1  }
0xbf: {  	_ =	sfence.sel $0xFFFF  }
0xc0: {  	[dreg:$0x0] =	wrdreg $0xFFFFFFFF;
	(pc) =	sbr.abs _section_cstart, $3  }
0xc1: {  	[dreg:$0x1] =	wrdreg $0xFFFFFFFF  }
0xc2: {  	_ =	task.clear_ibuf [dreg:s7], $0x2FFFF;
	_ =	strace $0x9FFFFFFF  }
0xc3: {  	(tm) =	ssettm $0x7FFFFFFF  }
tec
execute0_lowered:
.L_overlay_start_1:
0x0: {  	(tag) =	ssettag $0x1  }
0x1: {  	s0 =	srdreg.scid  }
0x2: {  	s1 =	rddreg [dreg:$0x0];
	s24 =	stileid.u32  }
0x3: {  	s2 =	rddreg [dreg:$0x1];
	s0 =	sand.u32 $0x1, s0;
	s9 =	smul.u32 $0x2800, s24  }
0x4: {  	s3 =	rddreg [dreg:$0x2];
	s8 =	sor.u32 $0x10, s24;
	s7 =	smul.u32 $0x138800, s0  }
0x5: {  	s28 =	simm.s32 $0x2;
	s18 =	sor.u32 $0x20, s24;
	s10 =	smul.u32 $0x2800, s8  }
0x6: {  	s29 =	simm.s32 $0x80;
	s19 =	sor.u32 $0x30, s24;
	s11 =	smul.u32 $0x2800, s18  }
0x7: {  	s30 =	simm.s32 $0x100;
	s20 =	sor.u32 $0x40, s24;
	s12 =	smul.u32 $0x2800, s19  }
0x8: {  	s31 =	simm.s32 $0x1;
	s21 =	sor.u32 $0x50, s24;
	s15 =	smul.u32 $0x2800, s20  }
0x9: {  	s6 =	sadd.s32 $0xB000, s1;
	s22 =	sor.u32 $0x60, s24;
	s25 =	smul.u32 $0x2800, s21  }
0xa: {  	s14 =	sadd.s32 $0x76C000, s1;
	s23 =	sor.u32 $0x70, s24;
	s16 =	smul.u32 $0x2800, s22  }
0xb: {  	s4 =	sshll.u32 s0, $0x4;
	s0 =	ssub.s32 $0x2, s0;
	s17 =	smul.u32 $0x2800, s23  }
0xc: {  	p0 =	sgt.u32 s23, $0x7C;
	s5 =	sor.u32 s24, s4;
	s24 =	smul.u32 $0xA000, s24  }
0xd: {  	s4 =	simm.s32 $0x0;
	s13 =	sshrl.u32 s0, $0x1;
	s5 =	smul.u32 $0x2780, s5  }
0xe: {  	[smem:$0x7FF] =	sst s4;
	s0 =	ssub.s32 s0, s13;
	s9 =	sadd.s32 s7, s9  }
0xf: {  	s10 =	sadd.s32 s7, s10;
	s11 =	sadd.s32 s7, s11;
	s12 =	sadd.s32 s7, s12  }
0x10: {  	s15 =	sadd.s32 s7, s15;
	s13 =	sadd.s32 s7, s25;
	s16 =	sadd.s32 s7, s16  }
0x11: {  	s7 =	sadd.s32 s7, s17;
	s25 =	smul.u32 $0xA000, s8;
	_ =	strace $0x8000004D  }
0x12: {  	s9 =	sshrl.u32 s9, $0x3;
	s26 =	sshrl.u32 s10, $0x3;
	s10 =	sshrl.u32 s11, $0x3  }
0x13: {  	s11 =	sshrl.u32 s12, $0x3;
	s12 =	sshrl.u32 s15, $0x3;
	s15 =	sshrl.u32 s13, $0x3  }
0x14: {  	s17 =	sshrl.u32 s16, $0x3;
	s7 =	sshrl.u32 s7, $0x3;
	s16 =	sadd.s32 $0x27C000, s1  }
0x15: {  	s8 =	sshrl.u32 s24, $0x2;
	s24 =	smul.u32 $0xA000, s20;
	s9 =	sadd.s32 s14, s9  }
0x16: {  	s13 =	sadd.s32 s14, s17;
	s17 =	smax.u32 s0, $0x1;
	[dreg:$0x4] =	wrdreg s9  }
0x17: {  	s9 =	sadd.s32 s14, s26;
	s26 =	smul.u32 $0xA000, s18;
	s18 =	sadd.s32 s8, s3  }
0x18: {  	[dreg:$0x5] =	wrdreg s9;
	s9 =	sadd.s32 s14, s10;
	s10 =	sadd.s32 s14, s11  }
0x19: {  	s11 =	sadd.s32 s14, s12;
	s12 =	sadd.s32 s14, s15;
	s14 =	sadd.s32 s14, s7  }
0x1a: {  	s15 =	sadd.s32 $0x1200, s1;
	[dreg:$0x6] =	wrdreg s9;
	s9 =	smul.u32 $0xA000, s19  }
0x1b: {  	s7 =	sshrl.u32 s25, $0x2;
	s0 =	sshrl.u32 s26, $0x2;
	s26 =	smul.u32 $0xA000, s21  }
0x1c: {  	s1 =	sshrl.u32 s24, $0x2;
	s19 =	sadd.s32 s7, s3;
	s7 =	smul.u32 $0xA000, s22  }
0x1d: {  	s22 =	sadd.s32 s1, s3;
	s25 =	sshrl.u32 s9, $0x2;
	s9 =	smul.u32 $0xA000, s23  }
0x1e: {  	s20 =	sadd.s32 s0, s3;
	s0 =	sshrl.u32 s7, $0x2;
	s21 =	sadd.s32 s25, s3  }
0x1f: {  	s25 =	sshrl.u32 s26, $0x2;
	s24 =	sadd.s32 s0, s3;
	s26 =	sshrl.u32 s9, $0x2  }
0x20: {  	v0 =	vimm.f32 $0.0e+00;
	s23 =	sadd.s32 s25, s3;
	s25 =	sadd.s32 s26, s3;
	s26 =	simm.s32 $0x4100  }
.LBB2_1:
0x21: {  	s0 =	simm.s32 $0x0;
	s1 =	simm.s32 $0x200  }
.LBB2_2:
0x22: {  	p1 =	sne.s32 s1, $0x9E00;
	[tilespmem:s0+$0x4170] =	vst v0  }
0x23: {  	[tilespmem:s0+$0x4100] =	vst v0  }
0x24: {  	[tilespmem:s0+$0x4110] =	vst v0  }
.Ltmp0:
0x25: {  	[tilespmem:s0+$0x4120] =	vst v0;
	(pc) =	sbr.rel @p1 .LBB2_2-.Ltmp0, $4  }
0x26: {  	[tilespmem:s0+$0x4130] =	vst v0  }
0x27: {  	[tilespmem:s0+$0x4140] =	vst v0  }
0x28: {  	[tilespmem:s0+$0x4150] =	vst v0  }
0x29: {  	[tilespmem:s0+$0x4160] =	vst v0;
	s0 =	sshra.s32 s1, $0x2;
	s1 =	sadd.s32 $0x200, s1  }
0x2a: {  	[tilespmem:s0+$0x4170] =	vst v0  }
0x2b: {  	[tilespmem:s0+$0x4100] =	vst v0  }
0x2c: {  	[tilespmem:s0+$0x4110] =	vst v0  }
0x2d: {  	[tilespmem:s0+$0x4120] =	vst v0  }
0x2e: {  	[tilespmem:s0+$0x4130] =	vst v0  }
0x2f: {  	[tilespmem:s0+$0x4140] =	vst v0  }
0x30: {  	[tilespmem:s0+$0x4150] =	vst v0  }
0x31: {  	[tilespmem:s0+$0x4160] =	vst v0  }
0x32: {  	[spmem:s18] =	stream.linear.scatter [tilespmem:s26], [sflag:$0x2], $0x2800, $0x38;
	[tilespmem:$0x1B980] =	vst v63  }
0x33: {  	_ =	swait.ge [sflag:s28], $0x2800  }
0x34: {  	[sflag:s28] =	ssyncset.done $0x0  }
0x35: {  	[sflag:s28] =	ssyncadd.s32 $0xFFFFD800  }
0x36: {  	[spmem:s19] =	stream.linear.scatter [tilespmem:s26], [sflag:$0x2], $0x2800, $0x38;
	[tilespmem:$0x1B980] =	vst v63  }
0x37: {  	_ =	swait.ge [sflag:s28], $0x2800  }
0x38: {  	[sflag:s28] =	ssyncset.done $0x0  }
0x39: {  	[sflag:s28] =	ssyncadd.s32 $0xFFFFD800  }
0x3a: {  	[spmem:s20] =	stream.linear.scatter [tilespmem:s26], [sflag:$0x2], $0x2800, $0x38;
	[tilespmem:$0x1B980] =	vst v63  }
0x3b: {  	_ =	swait.ge [sflag:s28], $0x2800  }
0x3c: {  	[sflag:s28] =	ssyncset.done $0x0  }
0x3d: {  	[sflag:s28] =	ssyncadd.s32 $0xFFFFD800  }
0x3e: {  	[spmem:s21] =	stream.linear.scatter [tilespmem:s26], [sflag:$0x2], $0x2800, $0x38;
	[tilespmem:$0x1B980] =	vst v63  }
0x3f: {  	_ =	swait.ge [sflag:s28], $0x2800  }
0x40: {  	[sflag:s28] =	ssyncset.done $0x0  }
0x41: {  	[sflag:s28] =	ssyncadd.s32 $0xFFFFD800  }
0x42: {  	[spmem:s22] =	stream.linear.scatter [tilespmem:s26], [sflag:$0x2], $0x2800, $0x38;
	[tilespmem:$0x1B980] =	vst v63  }
0x43: {  	_ =	swait.ge [sflag:s28], $0x2800  }
0x44: {  	[sflag:s28] =	ssyncset.done $0x0  }
0x45: {  	[sflag:s28] =	ssyncadd.s32 $0xFFFFD800  }
0x46: {  	[spmem:s23] =	stream.linear.scatter [tilespmem:s26], [sflag:$0x2], $0x2800, $0x38;
	[tilespmem:$0x1B980] =	vst v63  }
0x47: {  	_ =	swait.ge [sflag:s28], $0x2800  }
0x48: {  	[sflag:s28] =	ssyncset.done $0x0  }
0x49: {  	[sflag:s28] =	ssyncadd.s32 $0xFFFFD800  }
0x4a: {  	[spmem:s24] =	stream.linear.scatter [tilespmem:s26], [sflag:$0x2], $0x2800, $0x38;
	[tilespmem:$0x1B980] =	vst v63  }
0x4b: {  	_ =	swait.ge [sflag:s28], $0x2800  }
0x4c: {  	[sflag:s28] =	ssyncset.done $0x0  }
0x4d: {  	s0 =	simm.s32 @!p0 $0x4100;
	[sflag:s28] =	ssyncadd.s32 $0xFFFFD800  }
0x4e: {  	[spmem:s25] =	stream.linear.scatter @!p0 [tilespmem:s0], [sflag:$0x2], $0x2800, $0x38;
	[tilespmem:$0x1B980] =	vst v63  }
0x4f: {  	s0 =	simm.s32 @!p0 $0x2  }
0x50: {  	_ =	swait.ge @!p0 [sflag:s0], $0x2800  }
0x51: {  	[sflag:s0] =	ssyncset.done @!p0 $0x0  }
0x52: {  	[sflag:s0] =	ssyncadd.s32 @!p0 $0xFFFFD800  }
0x53: {  	s1 =	simm.s32 $0x0;
	s0 =	simm.s32 $0x0;
	[bflag:$0x0] =	sbarrier.arrive $0xFFFF  }
.LBB2_4:
0x54: {  	s7 =	sshll.u32 s0, $0x7  }
0x55: {  	s7 =	sadd.s32 s5, s7  }
0x56: {  	s8 =	sshrl.u32 s7, $0x3  }
0x57: {  	s9 =	sadd.s32 s2, s8  }
0x58: {  	[tilespmem:s1], [sflag:$0x2] =	stream.linear.gather [hbm4b:s9+s1], $0x80, $0x38;
	[tilespmem:$0x1B980] =	vst v63  }
0x59: {  	_ =	swait.ge [sflag:s28], $0x80  }
0x5a: {  	[sflag:s28] =	ssyncset.done $0x0  }
0x5b: {  	s8 =	sadd.s32 s15, s8;
	[sflag:s28] =	ssyncadd.s32 $0xFFFFFF80  }
0x5c: {  	[tilespmem:s29], [sflag:$0x2] =	stream.linear.gather [hbm4b:s8+s1], $0x80, $0x38;
	[tilespmem:$0x1B980] =	vst v63  }
0x5d: {  	_ =	swait.ge [sflag:s28], $0x80  }
0x5e: {  	s7 =	sshll.u32 s7, $0x4;
	[sflag:s28] =	ssyncset.done $0x0  }
0x5f: {  	s7 =	sadd.s32 s16, s7;
	[sflag:s28] =	ssyncadd.s32 $0xFFFFFF80  }
0x60: {  	[tilespmem:s30], [sflag:$0x2] =	stream.linear.gather [hbm4b:s7+s1], $0x4000, $0x38;
	[tilespmem:$0x1B980] =	vst v63  }
0x61: {  	_ =	swait.ge [sflag:s28], $0x4000  }
0x62: {  	[sflag:s28] =	ssyncset.done $0x0  }
0x63: {  	[sflag:s28] =	ssyncadd.s32 $0xFFFFC000  }
0x64: {  	[tilespmem:s26], [sflag:$0x1] =	stream.indirect.gather [hbm4b:s6+s29], $0x80, s1, s29, $0xb8;
	[tilespmem:$0x1B980] =	vst v63  }
0x65: {  	_ =	swait.ge [sflag:s31], $0x4000  }
0x66: {  	[sflag:s31] =	ssyncset.done $0x0  }
0x67: {  	s7 =	simm.s32 $0x0;
	[sflag:s31] =	ssyncadd.s32 $0xFFFFC000  }
0x68: {  	v1 =	vld [tilespmem:s7+$0x100]  }
0x69: {  	v5 =	vld [tilespmem:s7+$0x4100]  }
0x6a: {  	v7 =	vld [tilespmem:s7+$0x4110]  }
0x6b: {  	v6 =	vld [tilespmem:s7+$0x4120]  }
0x6c: {  	v4 =	vld [tilespmem:s7+$0x4130]  }
0x6d: {  	v2 =	vld [tilespmem:s7+$0x4140]  }
0x6e: {  	v3 =	vld [tilespmem:s7+$0x4150];
	v8 =	vmul.f32 v5, v1  }
0x6f: {  	s8 =	simm.s32 $0x200;
	v7 =	vmul.f32 v7, v1;
	v5 =	vld [tilespmem:s7+$0x4160]  }
.LBB2_5:
0x70: {  	s9 =	sshra.s32 s8, $0x2;
	p1 =	sne.s32 s8, $0xFE00;
	[tilespmem:s7+$0x4100] =	vst v8;
	v6 =	vmul.f32 v6, v1;
	v8 =	vld [tilespmem:s7+$0x4170]  }
0x71: {  	v9 =	vld [tilespmem:s9+$0x100];
	[tilespmem:s7+$0x4110] =	vst v7;
	v4 =	vmul.f32 v4, v1  }
0x72: {  	v7 =	vld [tilespmem:s9+$0x4100];
	[tilespmem:s7+$0x4120] =	vst v6;
	v2 =	vmul.f32 v2, v1  }
0x73: {  	v10 =	vld [tilespmem:s9+$0x4110];
	[tilespmem:s7+$0x4130] =	vst v4;
	v3 =	vmul.f32 v3, v1  }
.Ltmp1:
0x74: {  	v6 =	vld [tilespmem:s9+$0x4120];
	[tilespmem:s7+$0x4140] =	vst v2;
	v5 =	vmul.f32 v5, v1;
	(pc) =	sbr.rel @p1 .LBB2_5-.Ltmp1, $4  }
0x75: {  	v4 =	vld [tilespmem:s9+$0x4130];
	[tilespmem:s7+$0x4150] =	vst v3;
	v11 =	vmul.f32 v8, v1  }
0x76: {  	v2 =	vld [tilespmem:s9+$0x4140];
	[tilespmem:s7+$0x4160] =	vst v5;
	v1 =	vmov v9  }
0x77: {  	v8 =	vmul.f32 v7, v1;
	v3 =	vld [tilespmem:s9+$0x4150];
	[tilespmem:s7+$0x4170] =	vst v11;
	s7 =	smov.u32 s9  }
0x78: {  	s8 =	sadd.s32 $0x200, s8;
	v7 =	vmul.f32 v10, v1;
	v5 =	vld [tilespmem:s7+$0x4160]  }
0x79: {  	[tilespmem:s7+$0x4100] =	vst v8;
	v6 =	vmul.f32 v6, v1;
	v63 =	vld [tilespmem:s7+$0x4170]  }
0x7a: {  	[tilespmem:s7+$0x4110] =	vst v7;
	v4 =	vmul.f32 v4, v1  }
0x7b: {  	[tilespmem:s7+$0x4120] =	vst v6;
	v2 =	vmul.f32 v2, v1  }
0x7c: {  	[tilespmem:s7+$0x4130] =	vst v4;
	v3 =	vmul.f32 v3, v1  }
0x7d: {  	[tilespmem:s7+$0x4140] =	vst v2;
	v2 =	vmul.f32 v5, v1  }
0x7e: {  	s0 =	sadd.s32 $0x1, s0;
	[tilespmem:s7+$0x4150] =	vst v3;
	v1 =	vmul.f32 v63, v1  }
0x7f: {  	p1 =	sne.s32 s0, $0x4F;
	[tilespmem:s7+$0x4160] =	vst v2  }
.Ltmp2:
0x80: {  	[tilespmem:s7+$0x4170] =	vst v1;
	(pc) =	sbr.rel @p1 .LBB2_4-.Ltmp2, $4  }
0x81: {  	[spmem:s3] =	stream.indirect.scatter.add.f32 [tilespmem:s26], [sflag:$0x2], $0x80, s29, s29, $0xb8;
	[tilespmem:$0x1B980] =	vst v63  }
0x82: {  	_ =	swait.ge [sflag:s28], $0x4000  }
0x83: {  	[sflag:s28] =	ssyncset.done $0x0  }
0x84: {  	[sflag:s28] =	ssyncadd.s32 $0xFFFFC000  }
0x85: {  	s0 =	stileid.u32  }
0x86: {  	[bflag:$0x0] =	sbarrier.arrive $0xFFFF;
	s0 =	sshll.u32 s0, $0x6  }
0x87: {  	s1 =	sshrl.u32 s18, $0x3;
	s7 =	rddreg [dreg:$0x4];
	s0 =	sor.u32 $0x1C02, s0  }
0x88: {  	[hbm:s7], [sflag:s0] =	dma.local [spmem:s1], $0x500  }
0x89: {  	_ =	swait.ge [sflag:s28], $0x500  }
0x8a: {  	[sflag:s28] =	ssyncset.done $0x0  }
0x8b: {  	s8 =	sshrl.u32 s19, $0x3;
	s9 =	rddreg [dreg:$0x5];
	[sflag:s28] =	ssyncadd.s32 $0xFFFFFB00  }
0x8c: {  	[hbm:s9], [sflag:s0] =	dma.local [spmem:s8], $0x500  }
0x8d: {  	_ =	swait.ge [sflag:s28], $0x500  }
0x8e: {  	[sflag:s28] =	ssyncset.done $0x0  }
0x8f: {  	s7 =	sshrl.u32 s20, $0x3;
	s8 =	rddreg [dreg:$0x6];
	[sflag:s28] =	ssyncadd.s32 $0xFFFFFB00  }
0x90: {  	[hbm:s8], [sflag:s0] =	dma.local [spmem:s7], $0x500  }
0x91: {  	_ =	swait.ge [sflag:s28], $0x500  }
0x92: {  	[sflag:s28] =	ssyncset.done $0x0  }
0x93: {  	s9 =	sshrl.u32 s21, $0x3;
	[sflag:s28] =	ssyncadd.s32 $0xFFFFFB00  }
0x94: {  	[hbm:s10], [sflag:s0] =	dma.local [spmem:s9], $0x500  }
0x95: {  	_ =	swait.ge [sflag:s28], $0x500  }
0x96: {  	[sflag:s28] =	ssyncset.done $0x0  }
0x97: {  	s7 =	sshrl.u32 s22, $0x3;
	[sflag:s28] =	ssyncadd.s32 $0xFFFFFB00  }
0x98: {  	[hbm:s11], [sflag:s0] =	dma.local [spmem:s7], $0x500  }
0x99: {  	_ =	swait.ge [sflag:s28], $0x500  }
0x9a: {  	[sflag:s28] =	ssyncset.done $0x0  }
0x9b: {  	s8 =	sshrl.u32 s23, $0x3;
	[sflag:s28] =	ssyncadd.s32 $0xFFFFFB00  }
0x9c: {  	[hbm:s12], [sflag:s0] =	dma.local [spmem:s8], $0x500  }
0x9d: {  	_ =	swait.ge [sflag:s28], $0x500  }
0x9e: {  	[sflag:s28] =	ssyncset.done $0x0  }
0x9f: {  	s9 =	sshrl.u32 s24, $0x3;
	[sflag:s28] =	ssyncadd.s32 $0xFFFFFB00  }
0xa0: {  	[hbm:s13], [sflag:s0] =	dma.local [spmem:s9], $0x500  }
0xa1: {  	_ =	swait.ge [sflag:s28], $0x500  }
0xa2: {  	s4 =	sadd.s32 $0x1, s4;
	[sflag:s28] =	ssyncset.done $0x0  }
0xa3: {  	p1 =	sne.s32 s4, s17;
	s1 =	sshrl.u32 @!p0 s25, $0x3;
	[sflag:s28] =	ssyncadd.s32 $0xFFFFFB00  }
0xa4: {  	[hbm:s14], [sflag:s0] =	dma.local @!p0 [spmem:s1], $0x500  }
.Ltmp3:
0xa5: {  	_ = 	snop;
	(pc) =	sbr.rel @p1 .LBB2_1-.Ltmp3, $4  }
0xa6: {  	s0 =	simm.s32 @!p0 $0x2  }
0xa7: {  	_ =	swait.ge @!p0 [sflag:s0], $0x500  }
0xa8: {  	[sflag:s0] =	ssyncset.done @!p0 $0x0  }
0xa9: {  	[sflag:s0] =	ssyncadd.s32 @!p0 $0xFFFFFB00  }
0xaa: {  	_ =	sfence.sel $0x180000  }
0xab: {  	[bflag:$0x0] =	sbarrier.arrive $0xFFFF  }
0xac: {  	_ =	strace $0x9000004D  }
0xad: {  	s0 =	stileid.u32;
	[bflag:$0x2] =	sbarrier.arrive $0xFFFF  }
0xae: {  	p0 =	sne.s32 s0, $0x0;
	s0 =	rddreg [dreg:$0x3]  }
0xaf: {  	s0 =	sadd.s32 @!p0 $0x100000, s0  }
0xb0: {  	[sflag:s0] =	ssyncadd.tile.s32 @!p0 $0x1;
	_ =	shalt  }
.Lfunc_end2:
_tile_overlayer_lowered:
.L_overlay_start_2:
0xb1: {  	(tag) =	ssettag $0x2  }
0xb2: {  	s0 =	rddreg [dreg:$0x0];
	s2 =	stileid.u32  }
0xb3: {  	s1 =	rddreg [dreg:$0x1];
	p0 =	sne.s32 s2, $0x0  }
0xb4: {  	s3 =	rddreg [dreg:$0x2];
	[bflag:$0x3] =	sbarrier.arrive $0xFFFF;
	s2 =	simm.s32 @!p0 $0x1C02  }
0xb5: {  	[timem:s3], [sflag:s2] =	dma.local @!p0 [hbm:s0], s1  }
0xb6: {  	s0 =	simm.s32 @!p0 $0x2  }
0xb7: {  	_ =	swait.ge @!p0 [sflag:s0], s1  }
0xb8: {  	s1 =	ssub.s32 @!p0 $0x0, s1;
	[sflag:s0] =	ssyncset.done @!p0 $0x0  }
0xb9: {  	[sflag:s0] =	ssyncadd.s32 @!p0 s1  }
0xba: {  	[bflag:$0x3] =	sbarrier.arrive $0xFFFF  }
0xbb: {  	_ =	shalt  }

</sc_bundles>
